<compile_context>
chip_gen: v7x
topology: tpu7x:2x2x1
jax: 0.10.2.dev20260603
libtpu: 0.0.44.dev20260713+nightly
codegen_flags: <defaults>
</compile_context>

<pallas_src>
import functools

import jax
import jax.numpy as jnp
from jax import lax
from jax.experimental import pallas as pl
from jax.experimental.pallas import tpu as pltpu
from jax.experimental.pallas import tpu_sc as plsc

N = 10000
E = 160000
K = 16
B = 128

NC = 2
NS = 16
NW = NC * NS
L = 16

NB = B // L
NP = 10240
NODES_PER_W = NP // NW
EC = 128
NCHUNK = E // EC
FULL_ROUNDS = NCHUNK // NW
EXTRA = NCHUNK - FULL_ROUNDS * NW


def _body(xT_hbm, ntab_hbm, etab_hbm, src_hbm, dst_hbm, out_hbm,
          xn_v, nt_v, sidx_v, didx_v, xs_v, xd_v, et_v, accv, sem):
    cid = lax.axis_index("c")
    sid = lax.axis_index("s")
    wid = sid * NC + cid

    zero = jnp.zeros((L,), jnp.float32)
    accs0 = (zero,) * NB

    nbase = wid * NODES_PER_W
    pltpu.sync_copy(xT_hbm.at[pl.ds(nbase, NODES_PER_W)], xn_v)
    pltpu.sync_copy(ntab_hbm.at[pl.ds(nbase * K, NODES_PER_W * K)], nt_v)

    def nbody(i, accs):
        base = jnp.full((L,), i * K, jnp.int32)
        out = []
        for j in range(NB):
            s = xn_v[i, pl.ds(j * L, L)]
            v = plsc.load_gather(nt_v, [base + s])
            out.append(accs[j] + v)
        return tuple(out)

    accs = lax.fori_loop(0, NODES_PER_W, nbody, accs0)

    def echunk(g, accs, scale):
        lo = g * EC
        pltpu.sync_copy(src_hbm.at[pl.ds(lo, EC)], sidx_v)
        pltpu.sync_copy(dst_hbm.at[pl.ds(lo, EC)], didx_v)
        pltpu.async_copy(xT_hbm.at[sidx_v], xs_v, sem).wait()
        pltpu.async_copy(xT_hbm.at[didx_v], xd_v, sem).wait()
        pltpu.sync_copy(etab_hbm.at[pl.ds(lo * (K * K), EC * K * K)], et_v)

        def ebody(e, a):
            base = jnp.full((L,), e * (K * K), jnp.int32)
            out = []
            for j in range(NB):
                s = xs_v[e, pl.ds(j * L, L)]
                d = xd_v[e, pl.ds(j * L, L)]
                v = plsc.load_gather(et_v, [base + s * K + d])
                out.append(a[j] + v * scale)
            return tuple(out)

        return lax.fori_loop(0, EC, ebody, accs)

    one = jnp.ones((L,), jnp.float32)
    accs = lax.fori_loop(
        0, FULL_ROUNDS, lambda c, a: echunk(c * NW + wid, a, one), accs)

    g_extra = jnp.where(wid < EXTRA, FULL_ROUNDS * NW + wid, 0)
    scale = jnp.where(wid < EXTRA, one, jnp.zeros((L,), jnp.float32))
    accs = echunk(g_extra, accs, scale)

    for j in range(NB):
        accv[pl.ds(j * L, L)] = accs[j]
    pltpu.sync_copy(accv, out_hbm.at[wid])


@jax.jit
def _partials(xT, ntab_flat, etab_flat, src, dst):
    mesh = plsc.VectorSubcoreMesh(core_axis_name="c", subcore_axis_name="s",
                                  num_cores=NC, num_subcores=NS)
    run = pl.kernel(
        _body,
        out_type=jax.ShapeDtypeStruct((NW, B), jnp.float32),
        mesh=mesh,
        compiler_params=pltpu.CompilerParams(needs_layout_passes=False),
        scratch_types=[
            pltpu.VMEM((NODES_PER_W, B), jnp.int32),
            pltpu.VMEM((NODES_PER_W * K,), jnp.float32),
            pltpu.VMEM((EC,), jnp.int32),
            pltpu.VMEM((EC,), jnp.int32),
            pltpu.VMEM((EC, B), jnp.int32),
            pltpu.VMEM((EC, B), jnp.int32),
            pltpu.VMEM((EC * K * K,), jnp.float32),
            pltpu.VMEM((B,), jnp.float32),
            pltpu.SemaphoreType.DMA,
        ],
    )
    return run(xT, ntab_flat, etab_flat, src, dst)


def kernel(x, node_table, edge_table, edge_index, constant):
    xT = jnp.pad(x.T, ((0, NP - N), (0, 0)))
    ntab = jnp.pad(node_table, ((0, NP - N), (0, 0)))
    src = edge_index[0]
    dst = edge_index[1]
    parts = _partials(xT, ntab.reshape(-1), edge_table.reshape(-1),
                      src, dst)
    return parts.sum(axis=0) + constant

# --- scband reference (transcript-rebuilt; emitter-appended) ---
"""Pipeline reference for scband-tabular-functional-graph-80625126080568 (READ-ONLY COPY).

The authoritative reference and input builder live on the scoring server;
editing this copy changes nothing except your own understanding.
"""

import jax, jax.numpy as jnp
import numpy as np

N = 10000   # n_nodes
E = 160000  # n_edges (avg_degree 16)
K = 16      # uniform n_states per node
B = 128     # batch of state assignments (vmap axis)


def setup_inputs(seed: int = 0) -> dict:
    key = jax.random.key(seed)
    kx, ke, kn, kw = jax.random.split(key, 4)
    # forward arg: batch of discrete state assignments, one state per node
    x = jax.random.randint(kx, (B, N), 0, K, dtype=jnp.int32)
    # graph structure (constant, part of __init__ in the original module)
    edge_index = jax.random.randint(ke, (2, E), 0, N, dtype=jnp.int32)
    # learned params: node_functions stacked [N, K], edge_functions stacked [E, K, K]
    node_table = jax.random.normal(kn, (N, K), dtype=jnp.float32)
    edge_table = jax.random.normal(kw, (E, K, K), dtype=jnp.float32)
    constant = jnp.array(0.0, dtype=jnp.float32)
    return {"x": x, "node_table": node_table, "edge_table": edge_table,
            "edge_index": edge_index, "constant": constant}


def reference(x, node_table, edge_table, edge_index, constant):
    # Faithful vectorized version of evaluate_jax_single vmapped over batch,
    # with eval_op = jnp.add, global_nl = identity, use_constant = True.
    # total = c + sum_i node_functions[i][x[i]] + sum_{(i,j) in edges} edge_functions[(i,j)][x[i], x[j]]
    node_ids = jnp.arange(N)[None, :]                   # [1, N]
    node_vals = node_table[node_ids, x]                 # gather -> [B, N]
    src = edge_index[0]                                 # [E]
    dst = edge_index[1]                                 # [E]
    edge_ids = jnp.arange(E)[None, :]                   # [1, E]
    edge_vals = edge_table[edge_ids, x[:, src], x[:, dst]]  # gather -> [B, E]
    total = constant + node_vals.sum(axis=1) + edge_vals.sum(axis=1)  # [B]
    return total

if __name__ == "__main__":
    import jax
    _d = setup_inputs()
    print(jax.jit(kernel)(*tuple(_d.values())))

</pallas_src>

<mosaic_0001>
#map = affine_map<(d0, d1) -> (0, 0)>
#map1 = affine_map<(d0, d1) -> (0)>
module attributes {stable_mosaic.version = 14 : i64} {
  func.func @_body(%arg0: i32, %arg1: i32, %arg2: memref<10240x128xi32, #tpu.memory_space<hbm>>, %arg3: memref<163840xf32, #tpu.memory_space<hbm>>, %arg4: memref<40960000xf32, #tpu.memory_space<hbm>>, %arg5: memref<160000xi32, #tpu.memory_space<hbm>>, %arg6: memref<160000xi32, #tpu.memory_space<hbm>>, %arg7: memref<32x128xf32, #tpu.memory_space<hbm>>, %arg8: memref<320x128xi32, #tpu.memory_space<vmem>>, %arg9: memref<5120xf32, #tpu.memory_space<vmem>>, %arg10: memref<128xi32, #tpu.memory_space<vmem>>, %arg11: memref<128xi32, #tpu.memory_space<vmem>>, %arg12: memref<128x128xi32, #tpu.memory_space<vmem>>, %arg13: memref<128x128xi32, #tpu.memory_space<vmem>>, %arg14: memref<32768xf32, #tpu.memory_space<vmem>>, %arg15: memref<128xf32, #tpu.memory_space<vmem>>, %arg16: memref<!tpu.dma_semaphore, #tpu.memory_space<semaphore_mem>>) attributes {dimension_semantics = [#tpu.dimension_semantics<core_parallel>, #tpu.dimension_semantics<subcore_parallel>], iteration_bounds = array<i64: 2, 16>, scalar_prefetch = 0 : i64, scratch_operands = 9 : i64, tpu.core_type = #tpu.core_type<sc_vector_subcore>, window_params = [{transform_indices = #map}, {transform_indices = #map1}, {transform_indices = #map1}, {transform_indices = #map1}, {transform_indices = #map1}, {transform_indices = #map}]} {
    %mul3A = arith.constant 2 : i32
    %mul3A_0 = arith.muli %arg1, %mul3A : i32
    %add3A = arith.addi %mul3A_0, %arg0 : i32
    %broadcast_in_dim3A = arith.constant 0.000000e+00 : f32
    %broadcast_in_dim3A_1 = vector.broadcast %broadcast_in_dim3A : f32 to vector<16xf32>
    %mul3A_2 = arith.constant 320 : i32
    %mul3A_3 = arith.muli %add3A, %mul3A_2 : i32
    "tpu.region"() ({
      %run_scoped3A = tpu.sem_alloc : memref<!tpu.dma_semaphore, #tpu.memory_space<semaphore_mem>>
      %dma_start3A_62 = arith.constant 0 : i32
      %dma_start3A_63 = tpu.memref_slice %arg2[%mul3A_3, %dma_start3A_62] : memref<10240x128xi32, #tpu.memory_space<hbm>> -> memref<320x128xi32, #tpu.memory_space<hbm>>
      %dma_start3A_64 = arith.constant 0 : i32
      %dma_start3A_65 = tpu.memref_slice %arg2[%mul3A_3, %dma_start3A_64] : memref<10240x128xi32, #tpu.memory_space<hbm>> -> memref<320x128xi32, #tpu.memory_space<hbm>>
      tpu.enqueue_dma source(%dma_start3A_65 : memref<320x128xi32, #tpu.memory_space<hbm>>) target(%arg8 : memref<320x128xi32, #tpu.memory_space<vmem>>) target_semaphore(%run_scoped3A : memref<!tpu.dma_semaphore, #tpu.memory_space<semaphore_mem>>)
      %dma_wait3A_66 = arith.constant 0 : i32
      %dma_wait3A_67 = tpu.memref_slice %arg2[%mul3A_3, %dma_wait3A_66] : memref<10240x128xi32, #tpu.memory_space<hbm>> -> memref<320x128xi32, #tpu.memory_space<hbm>>
      %dma_wait3A_68 = arith.constant 0 : i32
      %dma_wait3A_69 = tpu.memref_slice %arg2[%mul3A_3, %dma_wait3A_68] : memref<10240x128xi32, #tpu.memory_space<hbm>> -> memref<320x128xi32, #tpu.memory_space<hbm>>
      tpu.wait_dma2 semaphore(%run_scoped3A : memref<!tpu.dma_semaphore, #tpu.memory_space<semaphore_mem>>) src(%dma_wait3A_69 : memref<320x128xi32, #tpu.memory_space<hbm>>) dst(%arg8 : memref<320x128xi32, #tpu.memory_space<vmem>>)
      tpu.yield
    }) : () -> ()
    %mul3A_4 = arith.constant 16 : i32
    %mul3A_5 = arith.muli %mul3A_3, %mul3A_4 : i32
    "tpu.region"() ({
      %run_scoped3A = tpu.sem_alloc : memref<!tpu.dma_semaphore, #tpu.memory_space<semaphore_mem>>
      %dma_start3A_62 = tpu.memref_slice %arg3[%mul3A_5] : memref<163840xf32, #tpu.memory_space<hbm>> -> memref<5120xf32, #tpu.memory_space<hbm>>
      %dma_start3A_63 = tpu.memref_slice %arg3[%mul3A_5] : memref<163840xf32, #tpu.memory_space<hbm>> -> memref<5120xf32, #tpu.memory_space<hbm>>
      tpu.enqueue_dma source(%dma_start3A_63 : memref<5120xf32, #tpu.memory_space<hbm>>) target(%arg9 : memref<5120xf32, #tpu.memory_space<vmem>>) target_semaphore(%run_scoped3A : memref<!tpu.dma_semaphore, #tpu.memory_space<semaphore_mem>>)
      %dma_wait3A_64 = tpu.memref_slice %arg3[%mul3A_5] : memref<163840xf32, #tpu.memory_space<hbm>> -> memref<5120xf32, #tpu.memory_space<hbm>>
      %dma_wait3A_65 = tpu.memref_slice %arg3[%mul3A_5] : memref<163840xf32, #tpu.memory_space<hbm>> -> memref<5120xf32, #tpu.memory_space<hbm>>
      tpu.wait_dma2 semaphore(%run_scoped3A : memref<!tpu.dma_semaphore, #tpu.memory_space<semaphore_mem>>) src(%dma_wait3A_65 : memref<5120xf32, #tpu.memory_space<hbm>>) dst(%arg9 : memref<5120xf32, #tpu.memory_space<vmem>>)
      tpu.yield
    }) : () -> ()
    %scan3A = arith.constant 0 : i32
    %scan3A_6 = arith.constant 320 : i32
    %scan3A_7 = arith.addi %scan3A, %scan3A_6 : i32
    %scan3A_8 = arith.constant 1 : i32
    %scan3A_9:8 = scf.for %scan3A_62 = %scan3A to %scan3A_7 step %scan3A_8 iter_args(%scan3A_63 = %broadcast_in_dim3A_1, %scan3A_64 = %broadcast_in_dim3A_1, %scan3A_65 = %broadcast_in_dim3A_1, %scan3A_66 = %broadcast_in_dim3A_1, %scan3A_67 = %broadcast_in_dim3A_1, %scan3A_68 = %broadcast_in_dim3A_1, %scan3A_69 = %broadcast_in_dim3A_1, %scan3A_70 = %broadcast_in_dim3A_1) -> (vector<16xf32>, vector<16xf32>, vector<16xf32>, vector<16xf32>, vector<16xf32>, vector<16xf32>, vector<16xf32>, vector<16xf32>)  : i32 {
      %mul3A_71 = arith.constant 16 : i32
      %mul3A_72 = arith.muli %scan3A_62, %mul3A_71 : i32
      %broadcast_in_dim3A_73 = vector.broadcast %mul3A_72 : i32 to vector<16xi32>
      %get3A = arith.index_cast %scan3A_62 : i32 to index
      %get3A_74 = arith.constant 0 : index
      %get3A_75 = tpu.vector_load %arg8[%get3A, %get3A_74] {strides = array<i32>} : memref<320x128xi32, #tpu.memory_space<vmem>>, vector<16xi32>,
      %add3A_76 = arith.addi %broadcast_in_dim3A_73, %get3A_75 : vector<16xi32>
      %gather3A = tpu.vector_load_idx %arg9[%add3A_76] : memref<5120xf32, #tpu.memory_space<vmem>>[vector<16xi32>], vector<16xf32>,
      %add3A_77 = arith.addf %scan3A_63, %gather3A : vector<16xf32>
      %get3A_78 = arith.index_cast %scan3A_62 : i32 to index
      %get3A_79 = arith.constant 16 : index
      %get3A_80 = tpu.vector_load %arg8[%get3A_78, %get3A_79] {strides = array<i32>} : memref<320x128xi32, #tpu.memory_space<vmem>>, vector<16xi32>,
      %add3A_81 = arith.addi %broadcast_in_dim3A_73, %get3A_80 : vector<16xi32>
      %gather3A_82 = tpu.vector_load_idx %arg9[%add3A_81] : memref<5120xf32, #tpu.memory_space<vmem>>[vector<16xi32>], vector<16xf32>,
      %add3A_83 = arith.addf %scan3A_64, %gather3A_82 : vector<16xf32>
      %get3A_84 = arith.index_cast %scan3A_62 : i32 to index
      %get3A_85 = arith.constant 32 : index
      %get3A_86 = tpu.vector_load %arg8[%get3A_84, %get3A_85] {strides = array<i32>} : memref<320x128xi32, #tpu.memory_space<vmem>>, vector<16xi32>,
      %add3A_87 = arith.addi %broadcast_in_dim3A_73, %get3A_86 : vector<16xi32>
      %gather3A_88 = tpu.vector_load_idx %arg9[%add3A_87] : memref<5120xf32, #tpu.memory_space<vmem>>[vector<16xi32>], vector<16xf32>,
      %add3A_89 = arith.addf %scan3A_65, %gather3A_88 : vector<16xf32>
      %get3A_90 = arith.index_cast %scan3A_62 : i32 to index
      %get3A_91 = arith.constant 48 : index
      %get3A_92 = tpu.vector_load %arg8[%get3A_90, %get3A_91] {strides = array<i32>} : memref<320x128xi32, #tpu.memory_space<vmem>>, vector<16xi32>,
      %add3A_93 = arith.addi %broadcast_in_dim3A_73, %get3A_92 : vector<16xi32>
      %gather3A_94 = tpu.vector_load_idx %arg9[%add3A_93] : memref<5120xf32, #tpu.memory_space<vmem>>[vector<16xi32>], vector<16xf32>,
      %add3A_95 = arith.addf %scan3A_66, %gather3A_94 : vector<16xf32>
      %get3A_96 = arith.index_cast %scan3A_62 : i32 to index
      %get3A_97 = arith.constant 64 : index
      %get3A_98 = tpu.vector_load %arg8[%get3A_96, %get3A_97] {strides = array<i32>} : memref<320x128xi32, #tpu.memory_space<vmem>>, vector<16xi32>,
      %add3A_99 = arith.addi %broadcast_in_dim3A_73, %get3A_98 : vector<16xi32>
      %gather3A_100 = tpu.vector_load_idx %arg9[%add3A_99] : memref<5120xf32, #tpu.memory_space<vmem>>[vector<16xi32>], vector<16xf32>,
      %add3A_101 = arith.addf %scan3A_67, %gather3A_100 : vector<16xf32>
      %get3A_102 = arith.index_cast %scan3A_62 : i32 to index
      %get3A_103 = arith.constant 80 : index
      %get3A_104 = tpu.vector_load %arg8[%get3A_102, %get3A_103] {strides = array<i32>} : memref<320x128xi32, #tpu.memory_space<vmem>>, vector<16xi32>,
      %add3A_105 = arith.addi %broadcast_in_dim3A_73, %get3A_104 : vector<16xi32>
      %gather3A_106 = tpu.vector_load_idx %arg9[%add3A_105] : memref<5120xf32, #tpu.memory_space<vmem>>[vector<16xi32>], vector<16xf32>,
      %add3A_107 = arith.addf %scan3A_68, %gather3A_106 : vector<16xf32>
      %get3A_108 = arith.index_cast %scan3A_62 : i32 to index
      %get3A_109 = arith.constant 96 : index
      %get3A_110 = tpu.vector_load %arg8[%get3A_108, %get3A_109] {strides = array<i32>} : memref<320x128xi32, #tpu.memory_space<vmem>>, vector<16xi32>,
      %add3A_111 = arith.addi %broadcast_in_dim3A_73, %get3A_110 : vector<16xi32>
      %gather3A_112 = tpu.vector_load_idx %arg9[%add3A_111] : memref<5120xf32, #tpu.memory_space<vmem>>[vector<16xi32>], vector<16xf32>,
      %add3A_113 = arith.addf %scan3A_69, %gather3A_112 : vector<16xf32>
      %get3A_114 = arith.index_cast %scan3A_62 : i32 to index
      %get3A_115 = arith.constant 112 : index
      %get3A_116 = tpu.vector_load %arg8[%get3A_114, %get3A_115] {strides = array<i32>} : memref<320x128xi32, #tpu.memory_space<vmem>>, vector<16xi32>,
      %add3A_117 = arith.addi %broadcast_in_dim3A_73, %get3A_116 : vector<16xi32>
      %gather3A_118 = tpu.vector_load_idx %arg9[%add3A_117] : memref<5120xf32, #tpu.memory_space<vmem>>[vector<16xi32>], vector<16xf32>,
      %add3A_119 = arith.addf %scan3A_70, %gather3A_118 : vector<16xf32>
      scf.yield %add3A_77, %add3A_83, %add3A_89, %add3A_95, %add3A_101, %add3A_107, %add3A_113, %add3A_119 : vector<16xf32>, vector<16xf32>, vector<16xf32>, vector<16xf32>, vector<16xf32>, vector<16xf32>, vector<16xf32>, vector<16xf32>
    }
    %scan3A_10 = arith.constant 320 : i32
    %broadcast_in_dim3A_11 = arith.constant 1.000000e+00 : f32
    %broadcast_in_dim3A_12 = vector.broadcast %broadcast_in_dim3A_11 : f32 to vector<16xf32>
    %scan3A_13 = arith.constant 0 : i32
    %scan3A_14 = arith.constant 39 : i32
    %scan3A_15 = arith.addi %scan3A_13, %scan3A_14 : i32
    %scan3A_16 = arith.constant 1 : i32
    %scan3A_17:8 = scf.for %scan3A_62 = %scan3A_13 to %scan3A_15 step %scan3A_16 iter_args(%scan3A_63 = %scan3A_9#0, %scan3A_64 = %scan3A_9#1, %scan3A_65 = %scan3A_9#2, %scan3A_66 = %scan3A_9#3, %scan3A_67 = %scan3A_9#4, %scan3A_68 = %scan3A_9#5, %scan3A_69 = %scan3A_9#6, %scan3A_70 = %scan3A_9#7) -> (vector<16xf32>, vector<16xf32>, vector<16xf32>, vector<16xf32>, vector<16xf32>, vector<16xf32>, vector<16xf32>, vector<16xf32>)  : i32 {
      %mul3A_71 = arith.constant 32 : i32
      %mul3A_72 = arith.muli %scan3A_62, %mul3A_71 : i32
      %add3A_73 = arith.addi %mul3A_72, %add3A : i32
      %mul3A_74 = arith.constant 128 : i32
      %mul3A_75 = arith.muli %add3A_73, %mul3A_74 : i32
      "tpu.region"() ({
        %run_scoped3A = tpu.sem_alloc : memref<!tpu.dma_semaphore, #tpu.memory_space<semaphore_mem>>
        %dma_start3A_96 = tpu.memref_slice %arg5[%mul3A_75] : memref<160000xi32, #tpu.memory_space<hbm>> -> memref<128xi32, #tpu.memory_space<hbm>>
        %dma_start3A_97 = tpu.memref_slice %arg5[%mul3A_75] : memref<160000xi32, #tpu.memory_space<hbm>> -> memref<128xi32, #tpu.memory_space<hbm>>
        tpu.enqueue_dma source(%dma_start3A_97 : memref<128xi32, #tpu.memory_space<hbm>>) target(%arg10 : memref<128xi32, #tpu.memory_space<vmem>>) target_semaphore(%run_scoped3A : memref<!tpu.dma_semaphore, #tpu.memory_space<semaphore_mem>>)
        %dma_wait3A_98 = tpu.memref_slice %arg5[%mul3A_75] : memref<160000xi32, #tpu.memory_space<hbm>> -> memref<128xi32, #tpu.memory_space<hbm>>
        %dma_wait3A_99 = tpu.memref_slice %arg5[%mul3A_75] : memref<160000xi32, #tpu.memory_space<hbm>> -> memref<128xi32, #tpu.memory_space<hbm>>
        tpu.wait_dma2 semaphore(%run_scoped3A : memref<!tpu.dma_semaphore, #tpu.memory_space<semaphore_mem>>) src(%dma_wait3A_99 : memref<128xi32, #tpu.memory_space<hbm>>) dst(%arg10 : memref<128xi32, #tpu.memory_space<vmem>>)
        tpu.yield
      }) : () -> ()
      "tpu.region"() ({
        %run_scoped3A = tpu.sem_alloc : memref<!tpu.dma_semaphore, #tpu.memory_space<semaphore_mem>>
        %dma_start3A_96 = tpu.memref_slice %arg6[%mul3A_75] : memref<160000xi32, #tpu.memory_space<hbm>> -> memref<128xi32, #tpu.memory_space<hbm>>
        %dma_start3A_97 = tpu.memref_slice %arg6[%mul3A_75] : memref<160000xi32, #tpu.memory_space<hbm>> -> memref<128xi32, #tpu.memory_space<hbm>>
        tpu.enqueue_dma source(%dma_start3A_97 : memref<128xi32, #tpu.memory_space<hbm>>) target(%arg11 : memref<128xi32, #tpu.memory_space<vmem>>) target_semaphore(%run_scoped3A : memref<!tpu.dma_semaphore, #tpu.memory_space<semaphore_mem>>)
        %dma_wait3A_98 = tpu.memref_slice %arg6[%mul3A_75] : memref<160000xi32, #tpu.memory_space<hbm>> -> memref<128xi32, #tpu.memory_space<hbm>>
        %dma_wait3A_99 = tpu.memref_slice %arg6[%mul3A_75] : memref<160000xi32, #tpu.memory_space<hbm>> -> memref<128xi32, #tpu.memory_space<hbm>>
        tpu.wait_dma2 semaphore(%run_scoped3A : memref<!tpu.dma_semaphore, #tpu.memory_space<semaphore_mem>>) src(%dma_wait3A_99 : memref<128xi32, #tpu.memory_space<hbm>>) dst(%arg11 : memref<128xi32, #tpu.memory_space<vmem>>)
        tpu.yield
      }) : () -> ()
      %dma_start3A_76 = arith.constant 0 : i32
      %dma_start3A_77 = arith.constant 0 : i32
      %dma_start3A_78 = tpu.memref_slice %arg2[%dma_start3A_76, %dma_start3A_77] : memref<10240x128xi32, #tpu.memory_space<hbm>> -> memref<10240x128xi32, #tpu.memory_space<hbm>>
      tpu.enqueue_indirect_dma source(%dma_start3A_78 : memref<10240x128xi32, #tpu.memory_space<hbm>>) target(%arg12 : memref<128x128xi32, #tpu.memory_space<vmem>>) offsets(%arg10 : memref<128xi32, #tpu.memory_space<vmem>>) semaphore(%arg16 : memref<!tpu.dma_semaphore, #tpu.memory_space<semaphore_mem>>)
      %dma_wait3A_79 = arith.constant 0 : i32
      %dma_wait3A_80 = arith.constant 0 : i32
      %dma_wait3A_81 = tpu.memref_slice %arg2[%dma_wait3A_79, %dma_wait3A_80] : memref<10240x128xi32, #tpu.memory_space<hbm>> -> memref<10240x128xi32, #tpu.memory_space<hbm>>
      tpu.wait_indirect_dma semaphore(%arg16 : memref<!tpu.dma_semaphore, #tpu.memory_space<semaphore_mem>>) src(%dma_wait3A_81 : memref<10240x128xi32, #tpu.memory_space<hbm>>) dst(%arg12 : memref<128x128xi32, #tpu.memory_space<vmem>>)
      %dma_start3A_82 = arith.constant 0 : i32
      %dma_start3A_83 = arith.constant 0 : i32
      %dma_start3A_84 = tpu.memref_slice %arg2[%dma_start3A_82, %dma_start3A_83] : memref<10240x128xi32, #tpu.memory_space<hbm>> -> memref<10240x128xi32, #tpu.memory_space<hbm>>
      tpu.enqueue_indirect_dma source(%dma_start3A_84 : memref<10240x128xi32, #tpu.memory_space<hbm>>) target(%arg13 : memref<128x128xi32, #tpu.memory_space<vmem>>) offsets(%arg11 : memref<128xi32, #tpu.memory_space<vmem>>) semaphore(%arg16 : memref<!tpu.dma_semaphore, #tpu.memory_space<semaphore_mem>>)
      %dma_wait3A_85 = arith.constant 0 : i32
      %dma_wait3A_86 = arith.constant 0 : i32
      %dma_wait3A_87 = tpu.memref_slice %arg2[%dma_wait3A_85, %dma_wait3A_86] : memref<10240x128xi32, #tpu.memory_space<hbm>> -> memref<10240x128xi32, #tpu.memory_space<hbm>>
      tpu.wait_indirect_dma semaphore(%arg16 : memref<!tpu.dma_semaphore, #tpu.memory_space<semaphore_mem>>) src(%dma_wait3A_87 : memref<10240x128xi32, #tpu.memory_space<hbm>>) dst(%arg13 : memref<128x128xi32, #tpu.memory_space<vmem>>)
      %mul3A_88 = arith.constant 256 : i32
      %mul3A_89 = arith.muli %mul3A_75, %mul3A_88 : i32
      "tpu.region"() ({
        %run_scoped3A = tpu.sem_alloc : memref<!tpu.dma_semaphore, #tpu.memory_space<semaphore_mem>>
        %dma_start3A_96 = tpu.memref_slice %arg4[%mul3A_89] : memref<40960000xf32, #tpu.memory_space<hbm>> -> memref<32768xf32, #tpu.memory_space<hbm>>
        %dma_start3A_97 = tpu.memref_slice %arg4[%mul3A_89] : memref<40960000xf32, #tpu.memory_space<hbm>> -> memref<32768xf32, #tpu.memory_space<hbm>>
        tpu.enqueue_dma source(%dma_start3A_97 : memref<32768xf32, #tpu.memory_space<hbm>>) target(%arg14 : memref<32768xf32, #tpu.memory_space<vmem>>) target_semaphore(%run_scoped3A : memref<!tpu.dma_semaphore, #tpu.memory_space<semaphore_mem>>)
        %dma_wait3A_98 = tpu.memref_slice %arg4[%mul3A_89] : memref<40960000xf32, #tpu.memory_space<hbm>> -> memref<32768xf32, #tpu.memory_space<hbm>>
        %dma_wait3A_99 = tpu.memref_slice %arg4[%mul3A_89] : memref<40960000xf32, #tpu.memory_space<hbm>> -> memref<32768xf32, #tpu.memory_space<hbm>>
        tpu.wait_dma2 semaphore(%run_scoped3A : memref<!tpu.dma_semaphore, #tpu.memory_space<semaphore_mem>>) src(%dma_wait3A_99 : memref<32768xf32, #tpu.memory_space<hbm>>) dst(%arg14 : memref<32768xf32, #tpu.memory_space<vmem>>)
        tpu.yield
      }) : () -> ()
      %scan3A_90 = arith.constant 0 : i32
      %scan3A_91 = arith.constant 128 : i32
      %scan3A_92 = arith.addi %scan3A_90, %scan3A_91 : i32
      %scan3A_93 = arith.constant 1 : i32
      %scan3A_94:8 = scf.for %scan3A_96 = %scan3A_90 to %scan3A_92 step %scan3A_93 iter_args(%scan3A_97 = %scan3A_63, %scan3A_98 = %scan3A_64, %scan3A_99 = %scan3A_65, %scan3A_100 = %scan3A_66, %scan3A_101 = %scan3A_67, %scan3A_102 = %scan3A_68, %scan3A_103 = %scan3A_69, %scan3A_104 = %scan3A_70) -> (vector<16xf32>, vector<16xf32>, vector<16xf32>, vector<16xf32>, vector<16xf32>, vector<16xf32>, vector<16xf32>, vector<16xf32>)  : i32 {
        %mul3A_105 = arith.constant 256 : i32
        %mul3A_106 = arith.muli %scan3A_96, %mul3A_105 : i32
        %broadcast_in_dim3A_107 = vector.broadcast %mul3A_106 : i32 to vector<16xi32>
        %get3A = arith.index_cast %scan3A_96 : i32 to index
        %get3A_108 = arith.constant 0 : index
        %get3A_109 = tpu.vector_load %arg12[%get3A, %get3A_108] {strides = array<i32>} : memref<128x128xi32, #tpu.memory_space<vmem>>, vector<16xi32>,
        %get3A_110 = arith.index_cast %scan3A_96 : i32 to index
        %get3A_111 = arith.constant 0 : index
        %get3A_112 = tpu.vector_load %arg13[%get3A_110, %get3A_111] {strides = array<i32>} : memref<128x128xi32, #tpu.memory_space<vmem>>, vector<16xi32>,
        %mul3A_113 = arith.constant 16 : i32
        %mul3A_114 = vector.broadcast %mul3A_113 : i32 to vector<16xi32>
        %mul3A_115 = arith.muli %get3A_109, %mul3A_114 : vector<16xi32>
        %add3A_116 = arith.addi %broadcast_in_dim3A_107, %mul3A_115 : vector<16xi32>
        %add3A_117 = arith.addi %add3A_116, %get3A_112 : vector<16xi32>
        %gather3A = tpu.vector_load_idx %arg14[%add3A_117] : memref<32768xf32, #tpu.memory_space<vmem>>[vector<16xi32>], vector<16xf32>,
        %mul3A_118 = arith.mulf %gather3A, %broadcast_in_dim3A_12 : vector<16xf32>
        %add3A_119 = arith.addf %scan3A_97, %mul3A_118 : vector<16xf32>
        %get3A_120 = arith.index_cast %scan3A_96 : i32 to index
        %get3A_121 = arith.constant 16 : index
        %get3A_122 = tpu.vector_load %arg12[%get3A_120, %get3A_121] {strides = array<i32>} : memref<128x128xi32, #tpu.memory_space<vmem>>, vector<16xi32>,
        %get3A_123 = arith.index_cast %scan3A_96 : i32 to index
        %get3A_124 = arith.constant 16 : index
        %get3A_125 = tpu.vector_load %arg13[%get3A_123, %get3A_124] {strides = array<i32>} : memref<128x128xi32, #tpu.memory_space<vmem>>, vector<16xi32>,
        %mul3A_126 = arith.constant 16 : i32
        %mul3A_127 = vector.broadcast %mul3A_126 : i32 to vector<16xi32>
        %mul3A_128 = arith.muli %get3A_122, %mul3A_127 : vector<16xi32>
        %add3A_129 = arith.addi %broadcast_in_dim3A_107, %mul3A_128 : vector<16xi32>
        %add3A_130 = arith.addi %add3A_129, %get3A_125 : vector<16xi32>
        %gather3A_131 = tpu.vector_load_idx %arg14[%add3A_130] : memref<32768xf32, #tpu.memory_space<vmem>>[vector<16xi32>], vector<16xf32>,
        %mul3A_132 = arith.mulf %gather3A_131, %broadcast_in_dim3A_12 : vector<16xf32>
        %add3A_133 = arith.addf %scan3A_98, %mul3A_132 : vector<16xf32>
        %get3A_134 = arith.index_cast %scan3A_96 : i32 to index
        %get3A_135 = arith.constant 32 : index
        %get3A_136 = tpu.vector_load %arg12[%get3A_134, %get3A_135] {strides = array<i32>} : memref<128x128xi32, #tpu.memory_space<vmem>>, vector<16xi32>,
        %get3A_137 = arith.index_cast %scan3A_96 : i32 to index
        %get3A_138 = arith.constant 32 : index
        %get3A_139 = tpu.vector_load %arg13[%get3A_137, %get3A_138] {strides = array<i32>} : memref<128x128xi32, #tpu.memory_space<vmem>>, vector<16xi32>,
        %mul3A_140 = arith.constant 16 : i32
        %mul3A_141 = vector.broadcast %mul3A_140 : i32 to vector<16xi32>
        %mul3A_142 = arith.muli %get3A_136, %mul3A_141 : vector<16xi32>
        %add3A_143 = arith.addi %broadcast_in_dim3A_107, %mul3A_142 : vector<16xi32>
        %add3A_144 = arith.addi %add3A_143, %get3A_139 : vector<16xi32>
        %gather3A_145 = tpu.vector_load_idx %arg14[%add3A_144] : memref<32768xf32, #tpu.memory_space<vmem>>[vector<16xi32>], vector<16xf32>,
        %mul3A_146 = arith.mulf %gather3A_145, %broadcast_in_dim3A_12 : vector<16xf32>
        %add3A_147 = arith.addf %scan3A_99, %mul3A_146 : vector<16xf32>
        %get3A_148 = arith.index_cast %scan3A_96 : i32 to index
        %get3A_149 = arith.constant 48 : index
        %get3A_150 = tpu.vector_load %arg12[%get3A_148, %get3A_149] {strides = array<i32>} : memref<128x128xi32, #tpu.memory_space<vmem>>, vector<16xi32>,
        %get3A_151 = arith.index_cast %scan3A_96 : i32 to index
        %get3A_152 = arith.constant 48 : index
        %get3A_153 = tpu.vector_load %arg13[%get3A_151, %get3A_152] {strides = array<i32>} : memref<128x128xi32, #tpu.memory_space<vmem>>, vector<16xi32>,
        %mul3A_154 = arith.constant 16 : i32
        %mul3A_155 = vector.broadcast %mul3A_154 : i32 to vector<16xi32>
        %mul3A_156 = arith.muli %get3A_150, %mul3A_155 : vector<16xi32>
        %add3A_157 = arith.addi %broadcast_in_dim3A_107, %mul3A_156 : vector<16xi32>
        %add3A_158 = arith.addi %add3A_157, %get3A_153 : vector<16xi32>
        %gather3A_159 = tpu.vector_load_idx %arg14[%add3A_158] : memref<32768xf32, #tpu.memory_space<vmem>>[vector<16xi32>], vector<16xf32>,
        %mul3A_160 = arith.mulf %gather3A_159, %broadcast_in_dim3A_12 : vector<16xf32>
        %add3A_161 = arith.addf %scan3A_100, %mul3A_160 : vector<16xf32>
        %get3A_162 = arith.index_cast %scan3A_96 : i32 to index
        %get3A_163 = arith.constant 64 : index
        %get3A_164 = tpu.vector_load %arg12[%get3A_162, %get3A_163] {strides = array<i32>} : memref<128x128xi32, #tpu.memory_space<vmem>>, vector<16xi32>,
        %get3A_165 = arith.index_cast %scan3A_96 : i32 to index
        %get3A_166 = arith.constant 64 : index
        %get3A_167 = tpu.vector_load %arg13[%get3A_165, %get3A_166] {strides = array<i32>} : memref<128x128xi32, #tpu.memory_space<vmem>>, vector<16xi32>,
        %mul3A_168 = arith.constant 16 : i32
        %mul3A_169 = vector.broadcast %mul3A_168 : i32 to vector<16xi32>
        %mul3A_170 = arith.muli %get3A_164, %mul3A_169 : vector<16xi32>
        %add3A_171 = arith.addi %broadcast_in_dim3A_107, %mul3A_170 : vector<16xi32>
        %add3A_172 = arith.addi %add3A_171, %get3A_167 : vector<16xi32>
        %gather3A_173 = tpu.vector_load_idx %arg14[%add3A_172] : memref<32768xf32, #tpu.memory_space<vmem>>[vector<16xi32>], vector<16xf32>,
        %mul3A_174 = arith.mulf %gather3A_173, %broadcast_in_dim3A_12 : vector<16xf32>
        %add3A_175 = arith.addf %scan3A_101, %mul3A_174 : vector<16xf32>
        %get3A_176 = arith.index_cast %scan3A_96 : i32 to index
        %get3A_177 = arith.constant 80 : index
        %get3A_178 = tpu.vector_load %arg12[%get3A_176, %get3A_177] {strides = array<i32>} : memref<128x128xi32, #tpu.memory_space<vmem>>, vector<16xi32>,
        %get3A_179 = arith.index_cast %scan3A_96 : i32 to index
        %get3A_180 = arith.constant 80 : index
        %get3A_181 = tpu.vector_load %arg13[%get3A_179, %get3A_180] {strides = array<i32>} : memref<128x128xi32, #tpu.memory_space<vmem>>, vector<16xi32>,
        %mul3A_182 = arith.constant 16 : i32
        %mul3A_183 = vector.broadcast %mul3A_182 : i32 to vector<16xi32>
        %mul3A_184 = arith.muli %get3A_178, %mul3A_183 : vector<16xi32>
        %add3A_185 = arith.addi %broadcast_in_dim3A_107, %mul3A_184 : vector<16xi32>
        %add3A_186 = arith.addi %add3A_185, %get3A_181 : vector<16xi32>
        %gather3A_187 = tpu.vector_load_idx %arg14[%add3A_186] : memref<32768xf32, #tpu.memory_space<vmem>>[vector<16xi32>], vector<16xf32>,
        %mul3A_188 = arith.mulf %gather3A_187, %broadcast_in_dim3A_12 : vector<16xf32>
        %add3A_189 = arith.addf %scan3A_102, %mul3A_188 : vector<16xf32>
        %get3A_190 = arith.index_cast %scan3A_96 : i32 to index
        %get3A_191 = arith.constant 96 : index
        %get3A_192 = tpu.vector_load %arg12[%get3A_190, %get3A_191] {strides = array<i32>} : memref<128x128xi32, #tpu.memory_space<vmem>>, vector<16xi32>,
        %get3A_193 = arith.index_cast %scan3A_96 : i32 to index
        %get3A_194 = arith.constant 96 : index
        %get3A_195 = tpu.vector_load %arg13[%get3A_193, %get3A_194] {strides = array<i32>} : memref<128x128xi32, #tpu.memory_space<vmem>>, vector<16xi32>,
        %mul3A_196 = arith.constant 16 : i32
        %mul3A_197 = vector.broadcast %mul3A_196 : i32 to vector<16xi32>
        %mul3A_198 = arith.muli %get3A_192, %mul3A_197 : vector<16xi32>
        %add3A_199 = arith.addi %broadcast_in_dim3A_107, %mul3A_198 : vector<16xi32>
        %add3A_200 = arith.addi %add3A_199, %get3A_195 : vector<16xi32>
        %gather3A_201 = tpu.vector_load_idx %arg14[%add3A_200] : memref<32768xf32, #tpu.memory_space<vmem>>[vector<16xi32>], vector<16xf32>,
        %mul3A_202 = arith.mulf %gather3A_201, %broadcast_in_dim3A_12 : vector<16xf32>
        %add3A_203 = arith.addf %scan3A_103, %mul3A_202 : vector<16xf32>
        %get3A_204 = arith.index_cast %scan3A_96 : i32 to index
        %get3A_205 = arith.constant 112 : index
        %get3A_206 = tpu.vector_load %arg12[%get3A_204, %get3A_205] {strides = array<i32>} : memref<128x128xi32, #tpu.memory_space<vmem>>, vector<16xi32>,
        %get3A_207 = arith.index_cast %scan3A_96 : i32 to index
        %get3A_208 = arith.constant 112 : index
        %get3A_209 = tpu.vector_load %arg13[%get3A_207, %get3A_208] {strides = array<i32>} : memref<128x128xi32, #tpu.memory_space<vmem>>, vector<16xi32>,
        %mul3A_210 = arith.constant 16 : i32
        %mul3A_211 = vector.broadcast %mul3A_210 : i32 to vector<16xi32>
        %mul3A_212 = arith.muli %get3A_206, %mul3A_211 : vector<16xi32>
        %add3A_213 = arith.addi %broadcast_in_dim3A_107, %mul3A_212 : vector<16xi32>
        %add3A_214 = arith.addi %add3A_213, %get3A_209 : vector<16xi32>
        %gather3A_215 = tpu.vector_load_idx %arg14[%add3A_214] : memref<32768xf32, #tpu.memory_space<vmem>>[vector<16xi32>], vector<16xf32>,
        %mul3A_216 = arith.mulf %gather3A_215, %broadcast_in_dim3A_12 : vector<16xf32>
        %add3A_217 = arith.addf %scan3A_104, %mul3A_216 : vector<16xf32>
        scf.yield %add3A_119, %add3A_133, %add3A_147, %add3A_161, %add3A_175, %add3A_189, %add3A_203, %add3A_217 : vector<16xf32>, vector<16xf32>, vector<16xf32>, vector<16xf32>, vector<16xf32>, vector<16xf32>, vector<16xf32>, vector<16xf32>
      }
      %scan3A_95 = arith.constant 128 : i32
      scf.yield %scan3A_94#0, %scan3A_94#1, %scan3A_94#2, %scan3A_94#3, %scan3A_94#4, %scan3A_94#5, %scan3A_94#6, %scan3A_94#7 : vector<16xf32>, vector<16xf32>, vector<16xf32>, vector<16xf32>, vector<16xf32>, vector<16xf32>, vector<16xf32>, vector<16xf32>
    }
    %scan3A_18 = arith.constant 39 : i32
    %lt3A = arith.constant 2 : i32
    %lt3A_19 = arith.cmpi slt, %add3A, %lt3A : i32
    %add3A_20 = arith.constant 1248 : i32
    %add3A_21 = arith.addi %add3A_20, %add3A : i32
    %jit3A = arith.constant 0 : i32
    %select_n3A = arith.select %lt3A_19, %add3A_21, %jit3A : i32
    %lt3A_22 = arith.constant 2 : i32
    %lt3A_23 = arith.cmpi slt, %add3A, %lt3A_22 : i32
    %broadcast_in_dim3A_24 = arith.constant 0.000000e+00 : f32
    %broadcast_in_dim3A_25 = vector.broadcast %broadcast_in_dim3A_24 : f32 to vector<16xf32>
    %select_n3A_26 = arith.select %lt3A_23, %broadcast_in_dim3A_12, %broadcast_in_dim3A_25 : vector<16xf32>
    %mul3A_27 = arith.constant 128 : i32
    %mul3A_28 = arith.muli %select_n3A, %mul3A_27 : i32
    "tpu.region"() ({
      %run_scoped3A = tpu.sem_alloc : memref<!tpu.dma_semaphore, #tpu.memory_space<semaphore_mem>>
      %dma_start3A_62 = tpu.memref_slice %arg5[%mul3A_28] : memref<160000xi32, #tpu.memory_space<hbm>> -> memref<128xi32, #tpu.memory_space<hbm>>
      %dma_start3A_63 = tpu.memref_slice %arg5[%mul3A_28] : memref<160000xi32, #tpu.memory_space<hbm>> -> memref<128xi32, #tpu.memory_space<hbm>>
      tpu.enqueue_dma source(%dma_start3A_63 : memref<128xi32, #tpu.memory_space<hbm>>) target(%arg10 : memref<128xi32, #tpu.memory_space<vmem>>) target_semaphore(%run_scoped3A : memref<!tpu.dma_semaphore, #tpu.memory_space<semaphore_mem>>)
      %dma_wait3A_64 = tpu.memref_slice %arg5[%mul3A_28] : memref<160000xi32, #tpu.memory_space<hbm>> -> memref<128xi32, #tpu.memory_space<hbm>>
      %dma_wait3A_65 = tpu.memref_slice %arg5[%mul3A_28] : memref<160000xi32, #tpu.memory_space<hbm>> -> memref<128xi32, #tpu.memory_space<hbm>>
      tpu.wait_dma2 semaphore(%run_scoped3A : memref<!tpu.dma_semaphore, #tpu.memory_space<semaphore_mem>>) src(%dma_wait3A_65 : memref<128xi32, #tpu.memory_space<hbm>>) dst(%arg10 : memref<128xi32, #tpu.memory_space<vmem>>)
      tpu.yield
    }) : () -> ()
    "tpu.region"() ({
      %run_scoped3A = tpu.sem_alloc : memref<!tpu.dma_semaphore, #tpu.memory_space<semaphore_mem>>
      %dma_start3A_62 = tpu.memref_slice %arg6[%mul3A_28] : memref<160000xi32, #tpu.memory_space<hbm>> -> memref<128xi32, #tpu.memory_space<hbm>>
      %dma_start3A_63 = tpu.memref_slice %arg6[%mul3A_28] : memref<160000xi32, #tpu.memory_space<hbm>> -> memref<128xi32, #tpu.memory_space<hbm>>
      tpu.enqueue_dma source(%dma_start3A_63 : memref<128xi32, #tpu.memory_space<hbm>>) target(%arg11 : memref<128xi32, #tpu.memory_space<vmem>>) target_semaphore(%run_scoped3A : memref<!tpu.dma_semaphore, #tpu.memory_space<semaphore_mem>>)
      %dma_wait3A_64 = tpu.memref_slice %arg6[%mul3A_28] : memref<160000xi32, #tpu.memory_space<hbm>> -> memref<128xi32, #tpu.memory_space<hbm>>
      %dma_wait3A_65 = tpu.memref_slice %arg6[%mul3A_28] : memref<160000xi32, #tpu.memory_space<hbm>> -> memref<128xi32, #tpu.memory_space<hbm>>
      tpu.wait_dma2 semaphore(%run_scoped3A : memref<!tpu.dma_semaphore, #tpu.memory_space<semaphore_mem>>) src(%dma_wait3A_65 : memref<128xi32, #tpu.memory_space<hbm>>) dst(%arg11 : memref<128xi32, #tpu.memory_space<vmem>>)
      tpu.yield
    }) : () -> ()
    %dma_start3A = arith.constant 0 : i32
    %dma_start3A_29 = arith.constant 0 : i32
    %dma_start3A_30 = tpu.memref_slice %arg2[%dma_start3A, %dma_start3A_29] : memref<10240x128xi32, #tpu.memory_space<hbm>> -> memref<10240x128xi32, #tpu.memory_space<hbm>>
    tpu.enqueue_indirect_dma source(%dma_start3A_30 : memref<10240x128xi32, #tpu.memory_space<hbm>>) target(%arg12 : memref<128x128xi32, #tpu.memory_space<vmem>>) offsets(%arg10 : memref<128xi32, #tpu.memory_space<vmem>>) semaphore(%arg16 : memref<!tpu.dma_semaphore, #tpu.memory_space<semaphore_mem>>)
    %dma_wait3A = arith.constant 0 : i32
    %dma_wait3A_31 = arith.constant 0 : i32
    %dma_wait3A_32 = tpu.memref_slice %arg2[%dma_wait3A, %dma_wait3A_31] : memref<10240x128xi32, #tpu.memory_space<hbm>> -> memref<10240x128xi32, #tpu.memory_space<hbm>>
    tpu.wait_indirect_dma semaphore(%arg16 : memref<!tpu.dma_semaphore, #tpu.memory_space<semaphore_mem>>) src(%dma_wait3A_32 : memref<10240x128xi32, #tpu.memory_space<hbm>>) dst(%arg12 : memref<128x128xi32, #tpu.memory_space<vmem>>)
    %dma_start3A_33 = arith.constant 0 : i32
    %dma_start3A_34 = arith.constant 0 : i32
    %dma_start3A_35 = tpu.memref_slice %arg2[%dma_start3A_33, %dma_start3A_34] : memref<10240x128xi32, #tpu.memory_space<hbm>> -> memref<10240x128xi32, #tpu.memory_space<hbm>>
    tpu.enqueue_indirect_dma source(%dma_start3A_35 : memref<10240x128xi32, #tpu.memory_space<hbm>>) target(%arg13 : memref<128x128xi32, #tpu.memory_space<vmem>>) offsets(%arg11 : memref<128xi32, #tpu.memory_space<vmem>>) semaphore(%arg16 : memref<!tpu.dma_semaphore, #tpu.memory_space<semaphore_mem>>)
    %dma_wait3A_36 = arith.constant 0 : i32
    %dma_wait3A_37 = arith.constant 0 : i32
    %dma_wait3A_38 = tpu.memref_slice %arg2[%dma_wait3A_36, %dma_wait3A_37] : memref<10240x128xi32, #tpu.memory_space<hbm>> -> memref<10240x128xi32, #tpu.memory_space<hbm>>
    tpu.wait_indirect_dma semaphore(%arg16 : memref<!tpu.dma_semaphore, #tpu.memory_space<semaphore_mem>>) src(%dma_wait3A_38 : memref<10240x128xi32, #tpu.memory_space<hbm>>) dst(%arg13 : memref<128x128xi32, #tpu.memory_space<vmem>>)
    %mul3A_39 = arith.constant 256 : i32
    %mul3A_40 = arith.muli %mul3A_28, %mul3A_39 : i32
    "tpu.region"() ({
      %run_scoped3A = tpu.sem_alloc : memref<!tpu.dma_semaphore, #tpu.memory_space<semaphore_mem>>
      %dma_start3A_62 = tpu.memref_slice %arg4[%mul3A_40] : memref<40960000xf32, #tpu.memory_space<hbm>> -> memref<32768xf32, #tpu.memory_space<hbm>>
      %dma_start3A_63 = tpu.memref_slice %arg4[%mul3A_40] : memref<40960000xf32, #tpu.memory_space<hbm>> -> memref<32768xf32, #tpu.memory_space<hbm>>
      tpu.enqueue_dma source(%dma_start3A_63 : memref<32768xf32, #tpu.memory_space<hbm>>) target(%arg14 : memref<32768xf32, #tpu.memory_space<vmem>>) target_semaphore(%run_scoped3A : memref<!tpu.dma_semaphore, #tpu.memory_space<semaphore_mem>>)
      %dma_wait3A_64 = tpu.memref_slice %arg4[%mul3A_40] : memref<40960000xf32, #tpu.memory_space<hbm>> -> memref<32768xf32, #tpu.memory_space<hbm>>
      %dma_wait3A_65 = tpu.memref_slice %arg4[%mul3A_40] : memref<40960000xf32, #tpu.memory_space<hbm>> -> memref<32768xf32, #tpu.memory_space<hbm>>
      tpu.wait_dma2 semaphore(%run_scoped3A : memref<!tpu.dma_semaphore, #tpu.memory_space<semaphore_mem>>) src(%dma_wait3A_65 : memref<32768xf32, #tpu.memory_space<hbm>>) dst(%arg14 : memref<32768xf32, #tpu.memory_space<vmem>>)
      tpu.yield
    }) : () -> ()
    %scan3A_41 = arith.constant 0 : i32
    %scan3A_42 = arith.constant 128 : i32
    %scan3A_43 = arith.addi %scan3A_41, %scan3A_42 : i32
    %scan3A_44 = arith.constant 1 : i32
    %scan3A_45:8 = scf.for %scan3A_62 = %scan3A_41 to %scan3A_43 step %scan3A_44 iter_args(%scan3A_63 = %scan3A_17#0, %scan3A_64 = %scan3A_17#1, %scan3A_65 = %scan3A_17#2, %scan3A_66 = %scan3A_17#3, %scan3A_67 = %scan3A_17#4, %scan3A_68 = %scan3A_17#5, %scan3A_69 = %scan3A_17#6, %scan3A_70 = %scan3A_17#7) -> (vector<16xf32>, vector<16xf32>, vector<16xf32>, vector<16xf32>, vector<16xf32>, vector<16xf32>, vector<16xf32>, vector<16xf32>)  : i32 {
      %mul3A_71 = arith.constant 256 : i32
      %mul3A_72 = arith.muli %scan3A_62, %mul3A_71 : i32
      %broadcast_in_dim3A_73 = vector.broadcast %mul3A_72 : i32 to vector<16xi32>
      %get3A = arith.index_cast %scan3A_62 : i32 to index
      %get3A_74 = arith.constant 0 : index
      %get3A_75 = tpu.vector_load %arg12[%get3A, %get3A_74] {strides = array<i32>} : memref<128x128xi32, #tpu.memory_space<vmem>>, vector<16xi32>,
      %get3A_76 = arith.index_cast %scan3A_62 : i32 to index
      %get3A_77 = arith.constant 0 : index
      %get3A_78 = tpu.vector_load %arg13[%get3A_76, %get3A_77] {strides = array<i32>} : memref<128x128xi32, #tpu.memory_space<vmem>>, vector<16xi32>,
      %mul3A_79 = arith.constant 16 : i32
      %mul3A_80 = vector.broadcast %mul3A_79 : i32 to vector<16xi32>
      %mul3A_81 = arith.muli %get3A_75, %mul3A_80 : vector<16xi32>
      %add3A_82 = arith.addi %broadcast_in_dim3A_73, %mul3A_81 : vector<16xi32>
      %add3A_83 = arith.addi %add3A_82, %get3A_78 : vector<16xi32>
      %gather3A = tpu.vector_load_idx %arg14[%add3A_83] : memref<32768xf32, #tpu.memory_space<vmem>>[vector<16xi32>], vector<16xf32>,
      %mul3A_84 = arith.mulf %gather3A, %select_n3A_26 : vector<16xf32>
      %add3A_85 = arith.addf %scan3A_63, %mul3A_84 : vector<16xf32>
      %get3A_86 = arith.index_cast %scan3A_62 : i32 to index
      %get3A_87 = arith.constant 16 : index
      %get3A_88 = tpu.vector_load %arg12[%get3A_86, %get3A_87] {strides = array<i32>} : memref<128x128xi32, #tpu.memory_space<vmem>>, vector<16xi32>,
      %get3A_89 = arith.index_cast %scan3A_62 : i32 to index
      %get3A_90 = arith.constant 16 : index
      %get3A_91 = tpu.vector_load %arg13[%get3A_89, %get3A_90] {strides = array<i32>} : memref<128x128xi32, #tpu.memory_space<vmem>>, vector<16xi32>,
      %mul3A_92 = arith.constant 16 : i32
      %mul3A_93 = vector.broadcast %mul3A_92 : i32 to vector<16xi32>
      %mul3A_94 = arith.muli %get3A_88, %mul3A_93 : vector<16xi32>
      %add3A_95 = arith.addi %broadcast_in_dim3A_73, %mul3A_94 : vector<16xi32>
      %add3A_96 = arith.addi %add3A_95, %get3A_91 : vector<16xi32>
      %gather3A_97 = tpu.vector_load_idx %arg14[%add3A_96] : memref<32768xf32, #tpu.memory_space<vmem>>[vector<16xi32>], vector<16xf32>,
      %mul3A_98 = arith.mulf %gather3A_97, %select_n3A_26 : vector<16xf32>
      %add3A_99 = arith.addf %scan3A_64, %mul3A_98 : vector<16xf32>
      %get3A_100 = arith.index_cast %scan3A_62 : i32 to index
      %get3A_101 = arith.constant 32 : index
      %get3A_102 = tpu.vector_load %arg12[%get3A_100, %get3A_101] {strides = array<i32>} : memref<128x128xi32, #tpu.memory_space<vmem>>, vector<16xi32>,
      %get3A_103 = arith.index_cast %scan3A_62 : i32 to index
      %get3A_104 = arith.constant 32 : index
      %get3A_105 = tpu.vector_load %arg13[%get3A_103, %get3A_104] {strides = array<i32>} : memref<128x128xi32, #tpu.memory_space<vmem>>, vector<16xi32>,
      %mul3A_106 = arith.constant 16 : i32
      %mul3A_107 = vector.broadcast %mul3A_106 : i32 to vector<16xi32>
      %mul3A_108 = arith.muli %get3A_102, %mul3A_107 : vector<16xi32>
      %add3A_109 = arith.addi %broadcast_in_dim3A_73, %mul3A_108 : vector<16xi32>
      %add3A_110 = arith.addi %add3A_109, %get3A_105 : vector<16xi32>
      %gather3A_111 = tpu.vector_load_idx %arg14[%add3A_110] : memref<32768xf32, #tpu.memory_space<vmem>>[vector<16xi32>], vector<16xf32>,
      %mul3A_112 = arith.mulf %gather3A_111, %select_n3A_26 : vector<16xf32>
      %add3A_113 = arith.addf %scan3A_65, %mul3A_112 : vector<16xf32>
      %get3A_114 = arith.index_cast %scan3A_62 : i32 to index
      %get3A_115 = arith.constant 48 : index
      %get3A_116 = tpu.vector_load %arg12[%get3A_114, %get3A_115] {strides = array<i32>} : memref<128x128xi32, #tpu.memory_space<vmem>>, vector<16xi32>,
      %get3A_117 = arith.index_cast %scan3A_62 : i32 to index
      %get3A_118 = arith.constant 48 : index
      %get3A_119 = tpu.vector_load %arg13[%get3A_117, %get3A_118] {strides = array<i32>} : memref<128x128xi32, #tpu.memory_space<vmem>>, vector<16xi32>,
      %mul3A_120 = arith.constant 16 : i32
      %mul3A_121 = vector.broadcast %mul3A_120 : i32 to vector<16xi32>
      %mul3A_122 = arith.muli %get3A_116, %mul3A_121 : vector<16xi32>
      %add3A_123 = arith.addi %broadcast_in_dim3A_73, %mul3A_122 : vector<16xi32>
      %add3A_124 = arith.addi %add3A_123, %get3A_119 : vector<16xi32>
      %gather3A_125 = tpu.vector_load_idx %arg14[%add3A_124] : memref<32768xf32, #tpu.memory_space<vmem>>[vector<16xi32>], vector<16xf32>,
      %mul3A_126 = arith.mulf %gather3A_125, %select_n3A_26 : vector<16xf32>
      %add3A_127 = arith.addf %scan3A_66, %mul3A_126 : vector<16xf32>
      %get3A_128 = arith.index_cast %scan3A_62 : i32 to index
      %get3A_129 = arith.constant 64 : index
      %get3A_130 = tpu.vector_load %arg12[%get3A_128, %get3A_129] {strides = array<i32>} : memref<128x128xi32, #tpu.memory_space<vmem>>, vector<16xi32>,
      %get3A_131 = arith.index_cast %scan3A_62 : i32 to index
      %get3A_132 = arith.constant 64 : index
      %get3A_133 = tpu.vector_load %arg13[%get3A_131, %get3A_132] {strides = array<i32>} : memref<128x128xi32, #tpu.memory_space<vmem>>, vector<16xi32>,
      %mul3A_134 = arith.constant 16 : i32
      %mul3A_135 = vector.broadcast %mul3A_134 : i32 to vector<16xi32>
      %mul3A_136 = arith.muli %get3A_130, %mul3A_135 : vector<16xi32>
      %add3A_137 = arith.addi %broadcast_in_dim3A_73, %mul3A_136 : vector<16xi32>
      %add3A_138 = arith.addi %add3A_137, %get3A_133 : vector<16xi32>
      %gather3A_139 = tpu.vector_load_idx %arg14[%add3A_138] : memref<32768xf32, #tpu.memory_space<vmem>>[vector<16xi32>], vector<16xf32>,
      %mul3A_140 = arith.mulf %gather3A_139, %select_n3A_26 : vector<16xf32>
      %add3A_141 = arith.addf %scan3A_67, %mul3A_140 : vector<16xf32>
      %get3A_142 = arith.index_cast %scan3A_62 : i32 to index
      %get3A_143 = arith.constant 80 : index
      %get3A_144 = tpu.vector_load %arg12[%get3A_142, %get3A_143] {strides = array<i32>} : memref<128x128xi32, #tpu.memory_space<vmem>>, vector<16xi32>,
      %get3A_145 = arith.index_cast %scan3A_62 : i32 to index
      %get3A_146 = arith.constant 80 : index
      %get3A_147 = tpu.vector_load %arg13[%get3A_145, %get3A_146] {strides = array<i32>} : memref<128x128xi32, #tpu.memory_space<vmem>>, vector<16xi32>,
      %mul3A_148 = arith.constant 16 : i32
      %mul3A_149 = vector.broadcast %mul3A_148 : i32 to vector<16xi32>
      %mul3A_150 = arith.muli %get3A_144, %mul3A_149 : vector<16xi32>
      %add3A_151 = arith.addi %broadcast_in_dim3A_73, %mul3A_150 : vector<16xi32>
      %add3A_152 = arith.addi %add3A_151, %get3A_147 : vector<16xi32>
      %gather3A_153 = tpu.vector_load_idx %arg14[%add3A_152] : memref<32768xf32, #tpu.memory_space<vmem>>[vector<16xi32>], vector<16xf32>,
      %mul3A_154 = arith.mulf %gather3A_153, %select_n3A_26 : vector<16xf32>
      %add3A_155 = arith.addf %scan3A_68, %mul3A_154 : vector<16xf32>
      %get3A_156 = arith.index_cast %scan3A_62 : i32 to index
      %get3A_157 = arith.constant 96 : index
      %get3A_158 = tpu.vector_load %arg12[%get3A_156, %get3A_157] {strides = array<i32>} : memref<128x128xi32, #tpu.memory_space<vmem>>, vector<16xi32>,
      %get3A_159 = arith.index_cast %scan3A_62 : i32 to index
      %get3A_160 = arith.constant 96 : index
      %get3A_161 = tpu.vector_load %arg13[%get3A_159, %get3A_160] {strides = array<i32>} : memref<128x128xi32, #tpu.memory_space<vmem>>, vector<16xi32>,
      %mul3A_162 = arith.constant 16 : i32
      %mul3A_163 = vector.broadcast %mul3A_162 : i32 to vector<16xi32>
      %mul3A_164 = arith.muli %get3A_158, %mul3A_163 : vector<16xi32>
      %add3A_165 = arith.addi %broadcast_in_dim3A_73, %mul3A_164 : vector<16xi32>
      %add3A_166 = arith.addi %add3A_165, %get3A_161 : vector<16xi32>
      %gather3A_167 = tpu.vector_load_idx %arg14[%add3A_166] : memref<32768xf32, #tpu.memory_space<vmem>>[vector<16xi32>], vector<16xf32>,
      %mul3A_168 = arith.mulf %gather3A_167, %select_n3A_26 : vector<16xf32>
      %add3A_169 = arith.addf %scan3A_69, %mul3A_168 : vector<16xf32>
      %get3A_170 = arith.index_cast %scan3A_62 : i32 to index
      %get3A_171 = arith.constant 112 : index
      %get3A_172 = tpu.vector_load %arg12[%get3A_170, %get3A_171] {strides = array<i32>} : memref<128x128xi32, #tpu.memory_space<vmem>>, vector<16xi32>,
      %get3A_173 = arith.index_cast %scan3A_62 : i32 to index
      %get3A_174 = arith.constant 112 : index
      %get3A_175 = tpu.vector_load %arg13[%get3A_173, %get3A_174] {strides = array<i32>} : memref<128x128xi32, #tpu.memory_space<vmem>>, vector<16xi32>,
      %mul3A_176 = arith.constant 16 : i32
      %mul3A_177 = vector.broadcast %mul3A_176 : i32 to vector<16xi32>
      %mul3A_178 = arith.muli %get3A_172, %mul3A_177 : vector<16xi32>
      %add3A_179 = arith.addi %broadcast_in_dim3A_73, %mul3A_178 : vector<16xi32>
      %add3A_180 = arith.addi %add3A_179, %get3A_175 : vector<16xi32>
      %gather3A_181 = tpu.vector_load_idx %arg14[%add3A_180] : memref<32768xf32, #tpu.memory_space<vmem>>[vector<16xi32>], vector<16xf32>,
      %mul3A_182 = arith.mulf %gather3A_181, %select_n3A_26 : vector<16xf32>
      %add3A_183 = arith.addf %scan3A_70, %mul3A_182 : vector<16xf32>
      scf.yield %add3A_85, %add3A_99, %add3A_113, %add3A_127, %add3A_141, %add3A_155, %add3A_169, %add3A_183 : vector<16xf32>, vector<16xf32>, vector<16xf32>, vector<16xf32>, vector<16xf32>, vector<16xf32>, vector<16xf32>, vector<16xf32>
    }
    %scan3A_46 = arith.constant 128 : i32
    %swap3A = arith.constant 0 : index
    %swap3A_47 = tpu.vector_load %arg15[%swap3A] {strides = array<i32>} : memref<128xf32, #tpu.memory_space<vmem>>, vector<16xf32>,
    tpu.vector_store %arg15[%swap3A], %scan3A_45#0 {strides = array<i32>} : memref<128xf32, #tpu.memory_space<vmem>>, vector<16xf32>,
    %swap3A_48 = arith.constant 16 : index
    %swap3A_49 = tpu.vector_load %arg15[%swap3A_48] {strides = array<i32>} : memref<128xf32, #tpu.memory_space<vmem>>, vector<16xf32>,
    tpu.vector_store %arg15[%swap3A_48], %scan3A_45#1 {strides = array<i32>} : memref<128xf32, #tpu.memory_space<vmem>>, vector<16xf32>,
    %swap3A_50 = arith.constant 32 : index
    %swap3A_51 = tpu.vector_load %arg15[%swap3A_50] {strides = array<i32>} : memref<128xf32, #tpu.memory_space<vmem>>, vector<16xf32>,
    tpu.vector_store %arg15[%swap3A_50], %scan3A_45#2 {strides = array<i32>} : memref<128xf32, #tpu.memory_space<vmem>>, vector<16xf32>,
    %swap3A_52 = arith.constant 48 : index
    %swap3A_53 = tpu.vector_load %arg15[%swap3A_52] {strides = array<i32>} : memref<128xf32, #tpu.memory_space<vmem>>, vector<16xf32>,
    tpu.vector_store %arg15[%swap3A_52], %scan3A_45#3 {strides = array<i32>} : memref<128xf32, #tpu.memory_space<vmem>>, vector<16xf32>,
    %swap3A_54 = arith.constant 64 : index
    %swap3A_55 = tpu.vector_load %arg15[%swap3A_54] {strides = array<i32>} : memref<128xf32, #tpu.memory_space<vmem>>, vector<16xf32>,
    tpu.vector_store %arg15[%swap3A_54], %scan3A_45#4 {strides = array<i32>} : memref<128xf32, #tpu.memory_space<vmem>>, vector<16xf32>,
    %swap3A_56 = arith.constant 80 : index
    %swap3A_57 = tpu.vector_load %arg15[%swap3A_56] {strides = array<i32>} : memref<128xf32, #tpu.memory_space<vmem>>, vector<16xf32>,
    tpu.vector_store %arg15[%swap3A_56], %scan3A_45#5 {strides = array<i32>} : memref<128xf32, #tpu.memory_space<vmem>>, vector<16xf32>,
    %swap3A_58 = arith.constant 96 : index
    %swap3A_59 = tpu.vector_load %arg15[%swap3A_58] {strides = array<i32>} : memref<128xf32, #tpu.memory_space<vmem>>, vector<16xf32>,
    tpu.vector_store %arg15[%swap3A_58], %scan3A_45#6 {strides = array<i32>} : memref<128xf32, #tpu.memory_space<vmem>>, vector<16xf32>,
    %swap3A_60 = arith.constant 112 : index
    %swap3A_61 = tpu.vector_load %arg15[%swap3A_60] {strides = array<i32>} : memref<128xf32, #tpu.memory_space<vmem>>, vector<16xf32>,
    tpu.vector_store %arg15[%swap3A_60], %scan3A_45#7 {strides = array<i32>} : memref<128xf32, #tpu.memory_space<vmem>>, vector<16xf32>,
    "tpu.region"() ({
      %run_scoped3A = tpu.sem_alloc : memref<!tpu.dma_semaphore, #tpu.memory_space<semaphore_mem>>
      %dma_start3A_62 = arith.constant 0 : i32
      %dma_start3A_63 = tpu.memref_slice %arg7[%add3A, %dma_start3A_62] : memref<32x128xf32, #tpu.memory_space<hbm>> -> memref<1x128xf32, #tpu.memory_space<hbm>>
      %dma_start3A_64 = tpu.memref_squeeze %dma_start3A_63 : memref<1x128xf32, #tpu.memory_space<hbm>> -> memref<128xf32, #tpu.memory_space<hbm>>
      %dma_start3A_65 = arith.constant 0 : i32
      %dma_start3A_66 = tpu.memref_slice %arg7[%add3A, %dma_start3A_65] : memref<32x128xf32, #tpu.memory_space<hbm>> -> memref<1x128xf32, #tpu.memory_space<hbm>>
      %dma_start3A_67 = tpu.memref_squeeze %dma_start3A_66 : memref<1x128xf32, #tpu.memory_space<hbm>> -> memref<128xf32, #tpu.memory_space<hbm>>
      tpu.enqueue_dma source(%arg15 : memref<128xf32, #tpu.memory_space<vmem>>) target(%dma_start3A_67 : memref<128xf32, #tpu.memory_space<hbm>>) target_semaphore(%run_scoped3A : memref<!tpu.dma_semaphore, #tpu.memory_space<semaphore_mem>>)
      %dma_wait3A_68 = arith.constant 0 : i32
      %dma_wait3A_69 = tpu.memref_slice %arg7[%add3A, %dma_wait3A_68] : memref<32x128xf32, #tpu.memory_space<hbm>> -> memref<1x128xf32, #tpu.memory_space<hbm>>
      %dma_wait3A_70 = tpu.memref_squeeze %dma_wait3A_69 : memref<1x128xf32, #tpu.memory_space<hbm>> -> memref<128xf32, #tpu.memory_space<hbm>>
      %dma_wait3A_71 = arith.constant 0 : i32
      %dma_wait3A_72 = tpu.memref_slice %arg7[%add3A, %dma_wait3A_71] : memref<32x128xf32, #tpu.memory_space<hbm>> -> memref<1x128xf32, #tpu.memory_space<hbm>>
      %dma_wait3A_73 = tpu.memref_squeeze %dma_wait3A_72 : memref<1x128xf32, #tpu.memory_space<hbm>> -> memref<128xf32, #tpu.memory_space<hbm>>
      tpu.wait_dma2 semaphore(%run_scoped3A : memref<!tpu.dma_semaphore, #tpu.memory_space<semaphore_mem>>) src(%arg15 : memref<128xf32, #tpu.memory_space<vmem>>) dst(%dma_wait3A_73 : memref<128xf32, #tpu.memory_space<hbm>>)
      tpu.yield
    }) : () -> ()
    return
  }
}

</mosaic_0001>

<sc_bundles>
// kernel: _partials.3.cloned.1.call-start
scs
__scs_entry_jumppad:
0x0: {  	(pc) =	sbr.rel $0x88, $3  }
0x1: {  	(tag) =	ssettag $0x0;
	lr =	simm.s32 $0x1  }
0x2: {  	[smem:$0x3F9C] =	sst lr;
	_ =	strace $0xD0000000  }
0x3: {  	_ = 	snop  }
0x4: {  	_ = 	snop  }
0x5: {  	_ = 	snop  }
0x6: {  	_ = 	snop  }
0x7: {  	_ = 	snop  }
__scs_overlays_trampoline_lowered:
0x8: {  	[smem:$0x3FAB] =	sst s0  }
0x9: {  	[smem:$0x3FAC] =	sst s1  }
0xa: {  	[smem:$0x3FAD] =	sst s2  }
0xb: {  	[smem:$0x3FAE] =	sst s3  }
0xc: {  	[smem:$0x3FAF] =	sst s4  }
0xd: {  	[smem:$0x3FB0] =	sst s5  }
0xe: {  	[smem:$0x3FB1] =	sst s6  }
0xf: {  	[smem:$0x3FB2] =	sst s7  }
0x10: {  	[smem:$0x3FB3] =	sst s8  }
0x11: {  	[smem:$0x3FB4] =	sst s9;
	s0 =	simm.s32 @!p0 $0x0  }
0x12: {  	s1 =	sld [smem:$0x3F9A];
	s0 =	simm.s32 @p0 $0x1  }
0x13: {  	[smem:$0x3FB5] =	sst s0;
	s0 =	simm.s32 @!p1 $0x0  }
0x14: {  	s2 =	sld [smem:$0x3F99];
	s0 =	simm.s32 @p1 $0x1  }
0x15: {  	[smem:$0x3FB6] =	sst s0;
	s0 =	simm.s32 @!p2 $0x0  }
0x16: {  	s3 =	sld [smem:$0x3FDB];
	s0 =	simm.s32 @p2 $0x1  }
0x17: {  	s4 =	simm.s32 $0x1BF5;
	[smem:$0x3FB8] =	sst s0  }
0x18: {  	s0 =	sld [smem:$0x3F9B];
	_ =	swait.ge [sflag:s4], $0x0  }
0x19: {  	s7 =	sld [smem:$0x3F9C]  }
0x1a: {  	s8 =	sadd.s32 $0xFFFFE003, lr  }
0x1b: {  	s9 =	sadd.s32 $0xFFFFFEF7, lr;
	s5 =	simm.s32 $0xFFFFFFFF;
	p2 =	slt.u32 s8, $0xFFFFF086  }
0x1c: {  	p1 =	slt.u32 s9, $0xF7A;
	s5 =	simm.s32 @!p2 $0x0  }
0x1d: {  	s5 =	simm.s32 @p1 $0x1;
	p0 =	seq.s32 s7, s2  }
0x1e: {  	s7 =	smul.u32 @!p0 $0xF7A, s2;
	p2 =	seq.s32 @!p0 s5, $0x0  }
0x1f: {  	s9 =	smul.u32 $0xF7A, s1;
	s8 =	simm.s32 @!p0 $0x1BF5;
	p2 =	por !p2, p0  }
0x20: {  	[sflag:s8] =	ssyncset.s32 @!p0 $0xFFFFF086;
	s6 =	sadd.s32 @!p0 s3, s7;
	s7 =	simm.s32 @!p0 $0x108  }
0x21: {  	s3 =	sadd.s32 s3, s9;
	s6 =	sadd.s32 @!p0 $0x88, s6;
	s7 =	simm.s32 @p2 $0x1082  }
0x22: {  	[simem:s7], [sflag:s8] =	dma.local @!p0 [hbm:s6], $0xF7A  }
0x23: {  	s9 =	sor.u32 $0xD0000000, s2;
	s6 =	simm.s32 $0x108;
	_ =	swait.ge @!p0 [sflag:s8], $0x0  }
0x24: {  	s3 =	sadd.s32 $0x88, s3;
	s6 =	simm.s32 @!p1 $0x1082;
	[sflag:s4] =	ssyncset.s32 $0xFFFFF086  }
0x25: {  	[simem:s6], [sflag:s4] =	dma.local [hbm:s3], $0xF7A  }
0x26: {  	[smem:$0x3F9C] =	sst s1;
	(tag) =	ssettag s2;
	_ =	strace s9  }
0x27: {  	s1 =	sld [smem:$0x3FAC]  }
0x28: {  	s2 =	sld [smem:$0x3FAD]  }
0x29: {  	s4 =	sld [smem:$0x3FAF]  }
0x2a: {  	p0 =	seq.s32 s5, $0x0;
	s5 =	sld [smem:$0x3FB0]  }
0x2b: {  	s6 =	sld [smem:$0x3FB1]  }
0x2c: {  	s7 =	sld [smem:$0x3FB2]  }
0x2d: {  	s3 =	simm.s32 $0x108;
	s8 =	sld [smem:$0x3FB3]  }
0x2e: {  	s3 =	simm.s32 @!p0 $0x1082;
	s9 =	sld [smem:$0x3FB4]  }
0x2f: {  	lr =	sadd.s32 s0, s3;
	s0 =	sld [smem:$0x3FAB]  }
0x30: {  	s3 =	sld [smem:$0x3FAE]  }
0x31: {  	[smem:$0x3FB7] =	sst s10  }
0x32: {  	s10 =	sld [smem:$0x3FB5];
	_ =	sdelay $0x3  }
0x33: {  	p0 =	seq.s32 s10, $0x1;
	s10 =	sld [smem:$0x3FB7];
	_ =	sdelay $0x3  }
0x34: {  	[smem:$0x3FB7] =	sst s10  }
0x35: {  	s10 =	sld [smem:$0x3FB6];
	_ =	sdelay $0x3  }
0x36: {  	p1 =	seq.s32 s10, $0x1;
	s10 =	sld [smem:$0x3FB7];
	_ =	sdelay $0x3  }
0x37: {  	[smem:$0x3FB7] =	sst s10  }
0x38: {  	s10 =	sld [smem:$0x3FB8]  }
0x39: {  	_ = 	snop;
	(pc) =	sbr.ind lr, $3  }
0x3a: {  	_ = 	snop  }
0x3b: {  	_ = 	snop  }
0x3c: {  	p2 =	seq.s32 s10, $0x1;
	s10 =	sld [smem:$0x3FB7]  }
0x3d: {  	_ =	shalt  }
0x3e: {  	_ =	shalt  }
0x3f: {  	_ =	shalt  }
0x40: {  	_ =	shalt  }
0x41: {  	_ =	shalt  }
0x42: {  	_ =	shalt  }
0x43: {  	_ =	shalt  }
0x44: {  	_ =	shalt  }
0x45: {  	_ =	shalt  }
0x46: {  	_ =	shalt  }
0x47: {  	_ =	shalt  }
0x48: {  	_ =	shalt  }
0x49: {  	_ =	shalt  }
0x4a: {  	_ =	shalt  }
0x4b: {  	_ =	shalt  }
0x4c: {  	_ =	shalt  }
0x4d: {  	_ =	shalt  }
0x4e: {  	_ =	shalt  }
0x4f: {  	_ =	shalt  }
0x50: {  	_ =	shalt  }
0x51: {  	_ =	shalt  }
0x52: {  	_ =	shalt  }
0x53: {  	_ =	shalt  }
0x54: {  	_ =	shalt  }
0x55: {  	_ =	shalt  }
0x56: {  	_ =	shalt  }
0x57: {  	_ =	shalt  }
0x58: {  	_ =	shalt  }
0x59: {  	_ =	shalt  }
0x5a: {  	_ =	shalt  }
0x5b: {  	_ =	shalt  }
0x5c: {  	_ =	shalt  }
0x5d: {  	_ =	shalt  }
0x5e: {  	_ =	shalt  }
0x5f: {  	_ =	shalt  }
0x60: {  	_ =	shalt  }
0x61: {  	_ =	shalt  }
0x62: {  	_ =	shalt  }
0x63: {  	_ =	shalt  }
0x64: {  	_ =	shalt  }
0x65: {  	_ =	shalt  }
0x66: {  	_ =	shalt  }
0x67: {  	_ =	shalt  }
0x68: {  	_ =	shalt  }
0x69: {  	_ =	shalt  }
0x6a: {  	_ =	shalt  }
0x6b: {  	_ =	shalt  }
0x6c: {  	_ =	shalt  }
0x6d: {  	_ =	shalt  }
0x6e: {  	_ =	shalt  }
0x6f: {  	_ =	shalt  }
0x70: {  	_ =	shalt  }
0x71: {  	_ =	shalt  }
0x72: {  	_ =	shalt  }
0x73: {  	_ =	shalt  }
0x74: {  	_ =	shalt  }
0x75: {  	_ =	shalt  }
0x76: {  	_ =	shalt  }
0x77: {  	_ =	shalt  }
0x78: {  	_ =	shalt  }
0x79: {  	_ =	shalt  }
0x7a: {  	_ =	shalt  }
0x7b: {  	_ =	shalt  }
0x7c: {  	_ =	shalt  }
0x7d: {  	_ =	shalt  }
0x7e: {  	_ =	shalt  }
0x7f: {  	_ =	shalt  }
0x80: {  	_ =	shalt  }
0x81: {  	_ =	shalt  }
0x82: {  	_ =	shalt  }
0x83: {  	_ =	shalt  }
0x84: {  	_ =	shalt  }
0x85: {  	_ =	shalt  }
0x86: {  	_ =	shalt  }
0x87: {  	_ =	shalt  }
.Lfunc_end0:
.L_simem_size_0:
called_computation_lowered:
.L_overlay_start_0:
0x88: {  	s2 =	sld [smem:$0x3FD9]  }
0x89: {  	s3 =	sld [smem:$0x3FFE];
	_ =	sdelay $0x1  }
0x8a: {  	s1 =	srdreg.scid  }
0x8b: {  	s0 =	sand.u32 $0x1, s1  }
0x8c: {  	s18 =	sshll.u32 s0, $0xA;
	s2 =	sadd.s32 s3, s2  }
0x8d: {  	s2 =	sadd.s32 s2, s18  }
0x8e: {  	[smem:$0x3FC3] =	sst s2  }
0x8f: {  	_ = 	snop  }
0x90: {  	s2 =	sld [smem:$0x3FC9]  }
0x91: {  	s19 =	sld [smem:$0x3FC8]  }
0x92: {  	s4 =	sld [smem:$0x3FC7]  }
0x93: {  	s5 =	sld [smem:$0x3FC6]  }
0x94: {  	s6 =	sld [smem:$0x3FC5]  }
0x95: {  	s7 =	sld [smem:$0x3FD0];
	(tm) =	ssettm $0x1  }
0x96: {  	s8 =	sld [smem:$0x3FFB];
	_ =	sdelay $0x3  }
0x97: {  	_ =	strace s8  }
0x98: {  	s8 =	sld [smem:$0x3FFC];
	_ =	sdelay $0x3  }
0x99: {  	_ =	strace s8  }
0x9a: {  	s8 =	sld [smem:$0x3FFD];
	_ =	sdelay $0x3  }
0x9b: {  	_ =	strace s8  }
0x9c: {  	_ =	strace $0x8FFFFFFF  }
0x9d: {  	s20 =	sld [smem:$0x3FDB];
	_ =	sdelay $0x1  }
0x9e: {  	s9 =	simm.s32 $_scs_section_size  }
0x9f: {  	s10 =	simm.s32 $_size__tile_overlayer_lowered;
	s11 =	simm.s32 $_tile_overlayer_lowered  }
0xa0: {  	s23 =	simm.s32 $0x1BFF;
	s22 =	sshll.u32 s11, $0x1;
	s8 =	sadd.s32 s9, s20  }
0xa1: {  	s12 =	simm.s32 $0x0;
	s21 =	sshll.u32 s10, $0x1;
	s10 =	sadd.s32 s22, s8  }
0xa2: {  	[timem:s12], [sflag:s23] =	dma.local [hbm:s10], s21  }
0xa3: {  	_ =	swait.ge [sflag:s23], s21  }
0xa4: {  	s9 =	ssub.s32 $0x0, s21;
	[sflag:s23] =	ssyncset.done $0x0  }
0xa5: {  	[sflag:s23] =	ssyncadd.s32 s9;
	_ =	sdelay $0x1  }
0xa6: {  	s24 =	simm.s32 $0x1B8B  }
0xa7: {  	_ =	swait.ge [sflag:s24], $0x1  }
0xa8: {  	[sflag:s24] =	ssyncset.done $0x0  }
0xa9: {  	s25 =	simm.s32 $0x1B8E;
	[sflag:s24] =	ssyncadd.s32 $0xFFFFFFFF  }
0xaa: {  	s26 =	simm.s32 $execute0_lowered;
	[smem:$0x3FD2] =	sst s25  }
0xab: {  	s9 =	sshll.u32 s26, $0x1;
	_ =	strace $0x80000046;
	[dreg:$0x1] =	wrdreg $0xFFFFFFFF  }
0xac: {  	s28 =	simm.s32 $_size_execute0_lowered;
	s8 =	sadd.s32 s8, s9;
	[dreg:$0x0] =	wrdreg $0x0  }
0xad: {  	s9 =	sshll.u32 s28, $0x1;
	[dreg:$0x2] =	wrdreg s8  }
0xae: {  	[dreg:$0x3] =	wrdreg s9  }
0xaf: {  	[dreg:$0x4] =	wrdreg $0xC0  }
0xb0: {  	_ =	task [dreg:s12], $0x5FFFF  }
0xb1: {  	[dreg:$0x1] =	wrdreg $0xFFFFFFFF  }
0xb2: {  	[dreg:$0x0] =	wrdreg $0x60  }
0xb3: {  	[dreg:$0x2] =	wrdreg s2  }
0xb4: {  	[dreg:$0x3] =	wrdreg s19  }
0xb5: {  	[dreg:$0x4] =	wrdreg s4  }
0xb6: {  	[dreg:$0x5] =	wrdreg s5  }
0xb7: {  	[dreg:$0x6] =	wrdreg s6  }
0xb8: {  	[dreg:$0x7] =	wrdreg s7  }
0xb9: {  	[dreg:$0x8] =	wrdreg $0x9  }
0xba: {  	_ =	task.clear_ibuf [dreg:s12], $0x9FFFF;
	_ =	strace $0x90000046  }
0xbb: {  	s29 =	simm.s32 $0x9;
	_ =	strace $0x80000048  }
0xbc: {  	_ =	swait.ge [sflag:s29], $0x1  }
0xbd: {  	[sflag:s29] =	ssyncadd.s32 $0xFFFFFFFF  }
0xbe: {  	_ =	strace $0x90000048  }
0xbf: {  	_ =	sfence  }
0xc0: {  	s30 =	sld [smem:$0x0];
	_ =	sdelay $0x2  }
0xc1: {  	s31 =	sshll.u32 s1, $0xD;
	s1 =	sshrl.u32 s1, $0x2  }
0xc2: {  	s3 =	sand.u32 $0x4000, s31;
	s1 =	sadd.s32 s1, s30  }
0xc3: {  	s0 =	sor.u32 s3, s0;
	s1 =	sshll.u32 s1, $0x11  }
0xc4: {  	s0 =	sor.u32 s1, s0  }
0xc5: {  	s0 =	sadd.s32 $0x8F2B, s0  }
0xc6: {  	[sflag:s0] =	ssyncadd.remote.s32 $0x1  }
0xc7: {  	_ =	sfence.sel $0xFFFF  }
0xc8: {  	[dreg:$0x0] =	wrdreg $0xFFFFFFFF;
	(pc) =	sbr.abs _section_cstart, $3  }
0xc9: {  	[dreg:$0x1] =	wrdreg $0xFFFFFFFF  }
0xca: {  	_ =	task.clear_ibuf [dreg:s12], $0x2FFFF;
	_ =	strace $0x9FFFFFFF  }
0xcb: {  	(tm) =	ssettm $0x7FFFFFFF  }
tec
execute0_lowered:
.L_overlay_start_1:
0x0: {  	(tag) =	ssettag $0x1  }
0x1: {  	s0 =	rddreg [dreg:$0x0]  }
0x2: {  	s1 =	rddreg [dreg:$0x1]  }
0x3: {  	s2 =	rddreg [dreg:$0x2]  }
0x4: {  	s3 =	rddreg [dreg:$0x3]  }
0x5: {  	s5 =	rddreg [dreg:$0x4]  }
0x6: {  	s4 =	rddreg [dreg:$0x5];
	s6 =	srdreg.scid  }
0x7: {  	s12 =	stileid.u32;
	s15 =	simm.s32 $0x2;
	s16 =	simm.s32 $0xA000  }
0x8: {  	s17 =	simm.s32 $0xB400;
	s18 =	simm.s32 $0xB480;
	s19 =	simm.s32 $0x80  }
0x9: {  	s20 =	simm.s32 $0xB500;
	s21 =	simm.s32 $0x1;
	s22 =	simm.s32 $0xF500  }
0xa: {  	s23 =	simm.s32 $0x13500;
	s24 =	simm.s32 $0x1B500;
	s25 =	simm.s32 $0x0  }
0xb: {  	s7 =	sand.u32 $0x1, s6;
	s8 =	sshll.u32 s12, $0x1;
	s6 =	simm.s32 $0x0  }
0xc: {  	p0 =	seq.s32 s12, $0x0;
	s9 =	ssub.s32 $0x2, s7;
	s7 =	sor.u32 s7, s8  }
0xd: {  	[smem:$0x7FF] =	sst s6;
	s30 =	sshrl.u32 s9, $0x1;
	s10 =	smul.u32 $0x1400, s7  }
0xe: {  	s11 =	smul.u32 $0x280, s7;
	s12 =	sor.u32 $0x4E0, s7;
	_ =	strace $0x80000047  }
0xf: {  	s13 =	sshll.u32 s7, $0x4;
	s14 =	ssub.s32 s9, s30;
	s12 =	simm.s32 @!p0 $0x0  }
0x10: {  	s13 =	sadd.s32 s4, s13;
	s8 =	sadd.s32 s0, s10;
	s9 =	sadd.s32 s1, s11  }
0x11: {  	v0 =	vimm.f32 $1.000000000e+00;
	s31 =	sshll.u32 s12, $0x4;
	s12 =	sshll.u32 s12, $0xC;
	s14 =	smax.u32 s14, $0x1  }
0x12: {  	v0 =	vpsel !p0, $0x0, v0;
	s10 =	sadd.s32 s3, s31;
	s11 =	sadd.s32 s5, s31;
	s12 =	sadd.s32 s2, s12  }
.LBB2_1:
0x13: {  	[tilespmem:s6], [sflag:$0x2] =	stream.linear.gather [hbm4b:s8+s6], $0xA000, $0x38;
	[tilespmem:$0x1B580] =	vst v63  }
0x14: {  	_ =	swait.ge [sflag:s15], $0xA000  }
0x15: {  	[sflag:s15] =	ssyncset.done $0x0  }
0x16: {  	[sflag:s15] =	ssyncadd.s32 $0xFFFF6000  }
0x17: {  	[tilespmem:s16], [sflag:$0x2] =	stream.linear.gather [hbm4b:s9+s6], $0x1400, $0x38;
	[tilespmem:$0x1B580] =	vst v63  }
0x18: {  	_ =	swait.ge [sflag:s15], $0x1400  }
0x19: {  	[sflag:s15] =	ssyncset.done $0x0  }
0x1a: {  	s1 =	simm.s32 $0x40;
	[sflag:s15] =	ssyncadd.s32 $0xFFFFEC00  }
0x1b: {  	v1 =	vld [tilespmem:s1+$0x30]  }
0x1c: {  	v2 =	vld [tilespmem:s1+$0xFFFFFFD0]  }
0x1d: {  	v3 =	vld [tilespmem:s1+$0xFFFFFFE0]  }
0x1e: {  	v4 =	vld [tilespmem:s1+$0xFFFFFFF0]  }
0x1f: {  	v5 =	vld [tilespmem:s1+$0x0]  }
0x20: {  	v6 =	vld [tilespmem:s1+$0x10];
	v1 =	vadd.s32 s6, v1  }
0x21: {  	v2 =	vadd.s32 s6, v2  }
0x22: {  	v7 =	vld [tilespmem:s1+$0x20];
	v3 =	vadd.s32 s6, v3  }
0x23: {  	s4 =	simm.s32 $0xC0;
	v8 =	vld [tilespmem:s1+$0xFFFFFFC0];
	v4 =	vadd.s32 s6, v4  }
0x24: {  	v16 =	vld [tilespmem:s4+$0x30];
	v5 =	vadd.s32 s6, v5  }
0x25: {  	v6 =	vadd.s32 s6, v6;
	v1 =	vld.idx.msk [tilespmem:v1+s16+$0x0], $0xffff  }
0x26: {  	v11 =	vld.idx.msk [tilespmem:v2+s16+$0x0], $0xffff  }
0x27: {  	v9 =	vadd.s32 s6, v7;
	v12 =	vld.idx.msk [tilespmem:v3+s16+$0x0], $0xffff  }
0x28: {  	v10 =	vadd.s32 s6, v8;
	v8 =	vimm.f32 $0.0e+00;
	v7 =	vimm.f32 $0.0e+00;
	v13 =	vld.idx.msk [tilespmem:v4+s16+$0x0], $0xffff  }
0x29: {  	v2 =	vimm.f32 $0.0e+00;
	v14 =	vld.idx.msk [tilespmem:v5+s16+$0x0], $0xffff;
	v4 =	vimm.f32 $0.0e+00;
	v5 =	vimm.f32 $0.0e+00  }
0x2a: {  	s26 =	simm.s32 $0x20;
	s1 =	simm.s32 $0x10;
	v15 =	vld.idx.msk [tilespmem:v6+s16+$0x0], $0xffff;
	v3 =	vimm.f32 $0.0e+00;
	v6 =	vimm.f32 $0.0e+00;
	v1 =	vadd.f32 v1, v2  }
.LBB2_2:
0x2b: {  	p0 =	sne.s32 s26, $0x13F0;
	v17 =	vld [tilespmem:s4+$0xFFFFFFD0];
	v2 =	vadd.f32 v11, v2  }
0x2c: {  	v4 =	vadd.f32 v12, v4;
	v11 =	vld [tilespmem:s4+$0xFFFFFFE0]  }
0x2d: {  	v5 =	vadd.f32 v13, v5;
	v12 =	vld [tilespmem:s4+$0xFFFFFFF0]  }
0x2e: {  	v3 =	vadd.f32 v14, v3;
	v13 =	vld [tilespmem:s4+$0x0]  }
0x2f: {  	v8 =	vadd.f32 v15, v8;
	v14 =	vld [tilespmem:s4+$0x10];
	v16 =	vadd.s32 s1, v16  }
0x30: {  	v15 =	vadd.s32 s1, v17;
	v17 =	vld [tilespmem:s4+$0x20]  }
0x31: {  	v18 =	vld [tilespmem:s4+$0xFFFFFFC0];
	v19 =	vadd.s32 s1, v11  }
0x32: {  	v20 =	vadd.s32 s1, v12;
	v21 =	vld.idx.msk [tilespmem:v10+s16+$0x0], $0xffff  }
0x33: {  	v22 =	vadd.s32 s1, v13;
	v23 =	vld.idx.msk [tilespmem:v9+s16+$0x0], $0xffff  }
0x34: {  	v24 =	vadd.s32 s1, v14;
	v25 =	vld.idx.msk [tilespmem:v16+s16+$0x0], $0xffff  }
0x35: {  	v11 =	vld.idx.msk [tilespmem:v15+s16+$0x0], $0xffff;
	v9 =	vadd.s32 s1, v17  }
.Ltmp0:
0x36: {  	v10 =	vadd.s32 s1, v18;
	v12 =	vld.idx.msk [tilespmem:v19+s16+$0x0], $0xffff;
	s1 =	smov.u32 s26;
	(pc) =	sbr.rel @p0 .LBB2_2-.Ltmp0, $4  }
0x37: {  	v13 =	vld.idx.msk [tilespmem:v20+s16+$0x0], $0xffff  }
0x38: {  	v6 =	vadd.f32 v21, v6;
	v14 =	vld.idx.msk [tilespmem:v22+s16+$0x0], $0xffff  }
0x39: {  	s4 =	sadd.s32 $0x80, s4;
	v7 =	vadd.f32 v23, v7;
	v15 =	vld.idx.msk [tilespmem:v24+s16+$0x0], $0xffff  }
0x3a: {  	s26 =	sadd.s32 $0x10, s26;
	v1 =	vadd.f32 v25, v1;
	v16 =	vld [tilespmem:s4+$0x30]  }
0x3b: {  	v17 =	vld [tilespmem:s4+$0xFFFFFFD0]  }
0x3c: {  	v18 =	vld [tilespmem:s4+$0xFFFFFFE0]  }
0x3d: {  	v19 =	vld [tilespmem:s4+$0xFFFFFFF0]  }
0x3e: {  	v20 =	vld [tilespmem:s4+$0x0]  }
0x3f: {  	v21 =	vld [tilespmem:s4+$0x10];
	v16 =	vadd.s32 s1, v16  }
0x40: {  	v22 =	vld [tilespmem:s4+$0xFFFFFFC0];
	v17 =	vadd.s32 s1, v17  }
0x41: {  	v23 =	vld [tilespmem:s4+$0x20];
	v18 =	vadd.s32 s1, v18  }
0x42: {  	v10 =	vld.idx.msk [tilespmem:v10+s16+$0x0], $0xffff;
	v19 =	vadd.s32 s1, v19  }
0x43: {  	v9 =	vld.idx.msk [tilespmem:v9+s16+$0x0], $0xffff;
	v20 =	vadd.s32 s1, v20  }
0x44: {  	v21 =	vadd.s32 s1, v21;
	v16 =	vld.idx.msk [tilespmem:v16+s16+$0x0], $0xffff  }
0x45: {  	v22 =	vadd.s32 s1, v22;
	v17 =	vld.idx.msk [tilespmem:v17+s16+$0x0], $0xffff  }
0x46: {  	v23 =	vadd.s32 s1, v23;
	v18 =	vld.idx.msk [tilespmem:v18+s16+$0x0], $0xffff  }
0x47: {  	v19 =	vld.idx.msk [tilespmem:v19+s16+$0x0], $0xffff  }
0x48: {  	v20 =	vld.idx.msk [tilespmem:v20+s16+$0x0], $0xffff  }
0x49: {  	v2 =	vadd.f32 v11, v2;
	v11 =	vld.idx.msk [tilespmem:v21+s16+$0x0], $0xffff  }
0x4a: {  	v4 =	vadd.f32 v12, v4;
	v5 =	vadd.f32 v13, v5;
	v61 =	vld.idx.msk [tilespmem:v22+s16+$0x0], $0xffff  }
0x4b: {  	v3 =	vadd.f32 v14, v3;
	v62 =	vadd.f32 v15, v8;
	v63 =	vld.idx.msk [tilespmem:v23+s16+$0x0], $0xffff  }
0x4c: {  	v10 =	vadd.f32 v10, v6;
	v9 =	vadd.f32 v9, v7  }
0x4d: {  	v8 =	vadd.f32 v16, v1;
	v6 =	vadd.f32 v17, v2  }
0x4e: {  	v4 =	vadd.f32 v18, v4;
	v5 =	vadd.f32 v19, v5  }
0x4f: {  	v3 =	vadd.f32 v20, v3;
	v2 =	vadd.f32 v11, v62  }
0x50: {  	s26 =	simm.s32 $0x0;
	s28 =	simm.s32 $0x0;
	v7 =	vadd.f32 v61, v10;
	v1 =	vadd.f32 v63, v9  }
.LBB2_4:
0x51: {  	s1 =	sshll.u32 s28, $0x5  }
0x52: {  	s1 =	sor.u32 s7, s1  }
0x53: {  	s4 =	sshll.u32 s1, $0x4  }
0x54: {  	s29 =	sadd.s32 s3, s4  }
0x55: {  	[tilespmem:s17], [sflag:$0x2] =	stream.linear.gather [hbm4b:s29+s26], $0x80, $0x38;
	[tilespmem:$0x1B580] =	vst v63  }
0x56: {  	_ =	swait.ge [sflag:s15], $0x80  }
0x57: {  	[sflag:s15] =	ssyncset.done $0x0  }
0x58: {  	s4 =	sadd.s32 s5, s4;
	[sflag:s15] =	ssyncadd.s32 $0xFFFFFF80  }
0x59: {  	[tilespmem:s18], [sflag:$0x2] =	stream.linear.gather [hbm4b:s4+s26], $0x80, $0x38;
	[tilespmem:$0x1B580] =	vst v63  }
0x5a: {  	_ =	swait.ge [sflag:s15], $0x80  }
0x5b: {  	[sflag:s15] =	ssyncset.done $0x0  }
0x5c: {  	[sflag:s15] =	ssyncadd.s32 $0xFFFFFF80  }
0x5d: {  	[tilespmem:s20], [sflag:$0x1] =	stream.indirect.gather [hbm4b:s0+s19], $0x80, s17, s19, $0xb8;
	[tilespmem:$0x1B580] =	vst v63  }
0x5e: {  	_ =	swait.ge [sflag:s21], $0x4000  }
0x5f: {  	[sflag:s21] =	ssyncset.done $0x0  }
0x60: {  	[sflag:s21] =	ssyncadd.s32 $0xFFFFC000  }
0x61: {  	[tilespmem:s22], [sflag:$0x1] =	stream.indirect.gather [hbm4b:s0+s19], $0x80, s18, s19, $0xb8;
	[tilespmem:$0x1B580] =	vst v63  }
0x62: {  	_ =	swait.ge [sflag:s21], $0x4000  }
0x63: {  	s1 =	sshll.u32 s1, $0xC;
	[sflag:s21] =	ssyncset.done $0x0  }
0x64: {  	p2 =	por $0x1, $0x1;
	s1 =	sadd.s32 s2, s1;
	[sflag:s21] =	ssyncadd.s32 $0xFFFFC000  }
0x65: {  	[tilespmem:s23], [sflag:$0x2] =	stream.linear.gather [hbm4b:s1+s26], $0x8000, $0x38;
	[tilespmem:$0x1B580] =	vst v63  }
.Ltmp1:
0x66: {  	_ = 	snop;
	(pc) =	sbr.rel @!p2 .LBB2_5-.Ltmp1, $4  }
0x67: {  	_ =	swait.ge [sflag:s15], $0x8000  }
0x68: {  	[sflag:s15] =	ssyncset.done $0x0  }
0x69: {  	s30 =	simm.s32 $0xB540;
	p0 =	por $0x0, $0x0;
	[sflag:s15] =	ssyncadd.s32 $0xFFFF8000  }
0x6a: {  	p1 =	por $0x0, $0x0;
	s29 =	simm.s32 $0xF540;
	s4 =	simm.s32 $0x100;
	v24 =	vld [tilespmem:s30+$0x30]  }
0x6b: {  	v9 =	vld [tilespmem:s30+$0xFFFFFFD0]  }
0x6c: {  	v10 =	vld [tilespmem:s29+$0x30]  }
0x6d: {  	v11 =	vld [tilespmem:s30+$0xFFFFFFE0]  }
0x6e: {  	v12 =	vld [tilespmem:s30+$0xFFFFFFF0]  }
0x6f: {  	v13 =	vld [tilespmem:s30+$0xFFFFFFC0]  }
0x70: {  	v14 =	vld [tilespmem:s30+$0x0]  }
0x71: {  	v16 =	vld [tilespmem:s29+$0xFFFFFFC0];
	v15 =	vshll.u32 v24, $0x4  }
0x72: {  	v17 =	vld [tilespmem:s29+$0xFFFFFFE0];
	v15 =	vadd.s32 s26, v15  }
0x73: {  	v10 =	vadd.s32 v10, v15;
	v15 =	vld [tilespmem:s29+$0xFFFFFFD0]  }
0x74: {  	v18 =	vld [tilespmem:s29+$0xFFFFFFF0]  }
0x75: {  	v19 =	vld [tilespmem:s30+$0x10];
	v13 =	vshll.u32 v13, $0x4  }
0x76: {  	v20 =	vld [tilespmem:s30+$0x20];
	v9 =	vshll.u32 v9, $0x4;
	v13 =	vadd.s32 s26, v13  }
0x77: {  	v21 =	vld [tilespmem:s29+$0x10];
	v11 =	vshll.u32 v11, $0x4;
	v9 =	vadd.s32 s26, v9;
	v13 =	vadd.s32 v16, v13  }
0x78: {  	v22 =	vld [tilespmem:s29+$0x20];
	v12 =	vshll.u32 v12, $0x4;
	v11 =	vadd.s32 s26, v11;
	v9 =	vadd.s32 v15, v9  }
0x79: {  	v12 =	vadd.s32 s26, v12;
	v11 =	vadd.s32 v17, v11;
	v10 =	vld.idx.msk [tilespmem:v10+s23+$0x0], $0xffff  }
0x7a: {  	p2 =	por $0x1, $0x1;
	s30 =	simm.s32 $0xB5C0;
	v12 =	vadd.s32 v18, v12;
	v15 =	vld [tilespmem:s29+$0x0]  }
.Ltmp2:
0x7b: {  	v24 =	vld [tilespmem:s30+$0x30];
	(pc) =	sbr.rel @!p2 .LBB2_7-.Ltmp2, $4  }
0x7c: {  	v16 =	vld.idx.msk [tilespmem:v13+s23+$0x0], $0xffff;
	v13 =	vshll.u32 v14, $0x4  }
0x7d: {  	v14 =	vshll.u32 v20, $0x4;
	v17 =	vld.idx.msk [tilespmem:v9+s23+$0x0], $0xffff;
	v9 =	vadd.s32 s26, v13;
	v13 =	vshll.u32 v19, $0x4  }
0x7e: {  	v18 =	vld.idx.msk [tilespmem:v11+s23+$0x0], $0xffff;
	v14 =	vadd.s32 s26, v14;
	v8 =	vadd.f32 v10, v8;
	v11 =	vadd.s32 s26, v13  }
0x7f: {  	s1 =	simm.s32 $0x200;
	p0 =	por $0x1, $0x1;
	v20 =	vld.idx.msk [tilespmem:v12+s23+$0x0], $0xffff;
	v13 =	vadd.s32 v15, v9;
	v9 =	vadd.s32 v22, v14;
	v10 =	vadd.s32 v21, v11  }
0x80: {  	v11 =	vld [tilespmem:s30+$0xFFFFFFD0]  }
0x81: {  	s31 =	simm.s32 $0xF5C0;
	v14 =	vld [tilespmem:s30+$0xFFFFFFE0]  }
0x82: {  	v12 =	vld [tilespmem:s31+$0x30]  }
0x83: {  	v15 =	vld [tilespmem:s30+$0xFFFFFFF0]  }
0x84: {  	v19 =	vld [tilespmem:s30+$0x0]  }
0x85: {  	v21 =	vshll.u32 v24, $0x4;
	v22 =	vld [tilespmem:s30+$0x10]  }
0x86: {  	v24 =	vld [tilespmem:s30+$0x20];
	v21 =	vadd.s32 s4, v21  }
0x87: {  	v33 =	vld.idx.msk [tilespmem:v10+s23+$0x0], $0xffff;
	v12 =	vadd.s32 v12, v21  }
0x88: {  	v21 =	vld [tilespmem:s30+$0xFFFFFFC0]  }
0x89: {  	v23 =	vld [tilespmem:s31+$0xFFFFFFC0]  }
0x8a: {  	v25 =	vld [tilespmem:s31+$0xFFFFFFD0]  }
0x8b: {  	v26 =	vld [tilespmem:s31+$0xFFFFFFE0]  }
0x8c: {  	v27 =	vld.idx.msk [tilespmem:v12+s23+$0x0], $0xffff  }
0x8d: {  	v12 =	vshll.u32 v21, $0x4;
	v21 =	vld [tilespmem:s31+$0xFFFFFFF0]  }
0x8e: {  	v30 =	vld [tilespmem:s31+$0x10];
	v11 =	vshll.u32 v11, $0x4;
	v12 =	vadd.s32 s4, v12  }
0x8f: {  	v32 =	vld.idx.msk [tilespmem:v13+s23+$0x0], $0xffff;
	v14 =	vshll.u32 v14, $0x4;
	v11 =	vadd.s32 s4, v11;
	v29 =	vadd.s32 v23, v12  }
0x90: {  	v28 =	vld [tilespmem:s31+$0x0];
	v25 =	vadd.s32 v25, v11;
	v12 =	vadd.s32 s4, v14;
	v14 =	vshll.u32 v15, $0x4  }
0x91: {  	v31 =	vld [tilespmem:s31+$0x20];
	v10 =	vshll.u32 v22, $0x4;
	s30 =	simm.s32 $0xB640;
	v11 =	vadd.s32 s4, v14;
	v26 =	vadd.s32 v26, v12  }
0x92: {  	p2 =	por $0x1, $0x1;
	v13 =	vshll.u32 v24, $0x4;
	v10 =	vadd.s32 s4, v10;
	v24 =	vld [tilespmem:s30+$0x30];
	v21 =	vadd.s32 v21, v11  }
.Ltmp3:
0x93: {  	v22 =	vadd.f32 v33, v2;
	v10 =	vadd.s32 v30, v10;
	v23 =	vld.idx.msk [tilespmem:v9+s23+$0x0], $0xffff;
	(pc) =	sbr.rel @!p2 .LBB2_9-.Ltmp3, $4  }
0x94: {  	v9 =	vshll.u32 v19, $0x4;
	v19 =	vadd.s32 s4, v13;
	v11 =	vadd.f32 v16, v7;
	v16 =	vld.idx.msk [tilespmem:v29+s23+$0x0], $0xffff  }
0x95: {  	v15 =	vadd.f32 v20, v5;
	v12 =	vadd.f32 v17, v6;
	v17 =	vld.idx.msk [tilespmem:v25+s23+$0x0], $0xffff;
	v9 =	vadd.s32 s4, v9  }
0x96: {  	v14 =	vadd.f32 v18, v4;
	v13 =	vadd.s32 v28, v9;
	v9 =	vadd.s32 v31, v19;
	v18 =	vld.idx.msk [tilespmem:v26+s23+$0x0], $0xffff  }
0x97: {  	p1 =	por $0x1, $0x1;
	s4 =	simm.s32 $0x300;
	v8 =	vadd.f32 v27, v8;
	v19 =	vmov v1;
	v20 =	vld.idx.msk [tilespmem:v21+s23+$0x0], $0xffff;
	v21 =	vadd.f32 v32, v3  }
.LBB2_10:
0x98: {  	p2 =	sne.s32 s4, $0x7F00;
	v25 =	vld [tilespmem:s30+$0xFFFFFFD0];
	s31 =	sadd.s32 $0x80, s31;
	v19 =	vadd.f32 v23, v19  }
0x99: {  	v11 =	vadd.f32 v16, v11;
	v23 =	vld [tilespmem:s31+$0x30]  }
0x9a: {  	v12 =	vadd.f32 v17, v12;
	v16 =	vld [tilespmem:s30+$0xFFFFFFE0]  }
0x9b: {  	v14 =	vadd.f32 v18, v14;
	v17 =	vld [tilespmem:s30+$0xFFFFFFF0]  }
0x9c: {  	v15 =	vadd.f32 v20, v15;
	v18 =	vld [tilespmem:s30+$0x0];
	v24 =	vshll.u32 v24, $0x4  }
0x9d: {  	v20 =	vshll.u32 v25, $0x4;
	v25 =	vld [tilespmem:s30+$0x10];
	v24 =	vadd.s32 s1, v24  }
0x9e: {  	v20 =	vadd.s32 s1, v20;
	v26 =	vld [tilespmem:s30+$0x20];
	v23 =	vadd.s32 v23, v24  }
0x9f: {  	v24 =	vld [tilespmem:s30+$0xFFFFFFC0];
	v16 =	vshll.u32 v16, $0x4  }
0xa0: {  	v27 =	vld [tilespmem:s31+$0xFFFFFFC0];
	v16 =	vadd.s32 s1, v16;
	v17 =	vshll.u32 v17, $0x4  }
0xa1: {  	v28 =	vld [tilespmem:s31+$0xFFFFFFD0];
	v17 =	vadd.s32 s1, v17;
	v18 =	vshll.u32 v18, $0x4  }
0xa2: {  	v29 =	vld [tilespmem:s31+$0xFFFFFFE0];
	v18 =	vadd.s32 s1, v18;
	v25 =	vshll.u32 v25, $0x4  }
0xa3: {  	v25 =	vadd.s32 s1, v25;
	v26 =	vshll.u32 v26, $0x4;
	v23 =	vld.idx.msk [tilespmem:v23+s23+$0x0], $0xffff  }
0xa4: {  	v24 =	vshll.u32 v24, $0x4;
	v30 =	vld [tilespmem:s31+$0xFFFFFFF0];
	v26 =	vadd.s32 s1, v26  }
0xa5: {  	v24 =	vadd.s32 s1, v24;
	v31 =	vld [tilespmem:s31+$0x0];
	s1 =	smov.u32 s4  }
0xa6: {  	v24 =	vadd.s32 v27, v24;
	v20 =	vadd.s32 v28, v20;
	v27 =	vld [tilespmem:s31+$0x10]  }
0xa7: {  	v28 =	vadd.s32 v29, v16;
	v29 =	vld [tilespmem:s31+$0x20]  }
0xa8: {  	v32 =	vld.idx.msk [tilespmem:v13+s23+$0x0], $0xffff  }
0xa9: {  	v8 =	vadd.f32 v23, v8;
	v30 =	vadd.s32 v30, v17;
	v33 =	vld.idx.msk [tilespmem:v10+s23+$0x0], $0xffff  }
0xaa: {  	v13 =	vadd.s32 v31, v18;
	v23 =	vld.idx.msk [tilespmem:v9+s23+$0x0], $0xffff  }
.Ltmp4:
0xab: {  	v16 =	vld.idx.msk [tilespmem:v24+s23+$0x0], $0xffff;
	v10 =	vadd.s32 v27, v25;
	(pc) =	sbr.rel @p2 .LBB2_10-.Ltmp4, $4  }
0xac: {  	v17 =	vld.idx.msk [tilespmem:v20+s23+$0x0], $0xffff;
	v9 =	vadd.s32 v29, v26  }
0xad: {  	v18 =	vld.idx.msk [tilespmem:v28+s23+$0x0], $0xffff  }
0xae: {  	s30 =	sadd.s32 $0x80, s30;
	v21 =	vadd.f32 v32, v21;
	v20 =	vld.idx.msk [tilespmem:v30+s23+$0x0], $0xffff  }
0xaf: {  	s4 =	sadd.s32 $0x100, s4;
	v22 =	vadd.f32 v33, v22;
	v24 =	vld [tilespmem:s30+$0x30]  }
0xb0: {  	s4 =	smov.u32 s1  }
.LBB2_12:
0xb1: {  	v25 =	vld [tilespmem:s30+$0xFFFFFFD0]  }
0xb2: {  	v27 =	vld [tilespmem:s30+$0xFFFFFFE0]  }
0xb3: {  	v28 =	vld [tilespmem:s30+$0xFFFFFFF0]  }
0xb4: {  	v29 =	vld [tilespmem:s30+$0x0]  }
0xb5: {  	v30 =	vld [tilespmem:s30+$0x10]  }
0xb6: {  	v31 =	vld [tilespmem:s30+$0x20]  }
0xb7: {  	s1 =	sadd.s32 @p0 $0x80, s31;
	v57 =	vld [tilespmem:s30+$0xFFFFFFC0]  }
0xb8: {  	v13 =	vld.idx.msk @p0 [tilespmem:v13+s23+$0x0], $0xffff;
	s29 =	smov.u32 @p0 s1  }
0xb9: {  	v26 =	vld [tilespmem:s29+$0x30]  }
0xba: {  	v33 =	vld [tilespmem:s29+$0xFFFFFFD0]  }
0xbb: {  	v34 =	vld [tilespmem:s29+$0xFFFFFFE0]  }
0xbc: {  	v35 =	vld [tilespmem:s29+$0xFFFFFFF0];
	v24 =	vshll.u32 v24, $0x4  }
0xbd: {  	v36 =	vld [tilespmem:s29+$0x0];
	v24 =	vadd.s32 s4, v24;
	v25 =	vshll.u32 v25, $0x4  }
0xbe: {  	v58 =	vld [tilespmem:s29+$0x10];
	v27 =	vshll.u32 v27, $0x4;
	v25 =	vadd.s32 s4, v25;
	v24 =	vadd.s32 v26, v24  }
0xbf: {  	v59 =	vld [tilespmem:s29+$0x20];
	v28 =	vshll.u32 v28, $0x4;
	v27 =	vadd.s32 s4, v27;
	v25 =	vadd.s32 v33, v25  }
0xc0: {  	v32 =	vld [tilespmem:s29+$0xFFFFFFC0];
	v29 =	vshll.u32 v29, $0x4;
	v28 =	vadd.s32 s4, v28;
	v27 =	vadd.s32 v34, v27  }
0xc1: {  	v10 =	vld.idx.msk @p0 [tilespmem:v10+s23+$0x0], $0xffff;
	v30 =	vshll.u32 v30, $0x4;
	v29 =	vadd.s32 s4, v29;
	v28 =	vadd.s32 v35, v28  }
0xc2: {  	v9 =	vld.idx.msk @p0 [tilespmem:v9+s23+$0x0], $0xffff;
	v31 =	vshll.u32 v31, $0x4;
	v30 =	vadd.s32 s4, v30;
	v29 =	vadd.s32 v36, v29  }
0xc3: {  	v31 =	vadd.s32 s4, v31;
	v26 =	vshll.u32 v57, $0x4;
	v30 =	vadd.s32 v58, v30;
	v24 =	vld.idx.msk [tilespmem:v24+s23+$0x0], $0xffff  }
0xc4: {  	v19 =	vadd.f32 @p1 v23, v19;
	v31 =	vadd.s32 v59, v31;
	v26 =	vadd.s32 s4, v26;
	v25 =	vld.idx.msk [tilespmem:v25+s23+$0x0], $0xffff  }
0xc5: {  	v11 =	vadd.f32 @p0 v16, v11;
	v12 =	vadd.f32 @p0 v17, v12;
	v26 =	vadd.s32 v32, v26;
	v60 =	vld.idx.msk [tilespmem:v27+s23+$0x0], $0xffff  }
0xc6: {  	v14 =	vadd.f32 @p0 v18, v14;
	v15 =	vadd.f32 @p0 v20, v15;
	v61 =	vld.idx.msk [tilespmem:v28+s23+$0x0], $0xffff  }
0xc7: {  	v19 =	vpsel p1, v19, v1;
	v13 =	vadd.f32 @p0 v13, v21;
	v9 =	vpsel p0, v9, v0;
	v62 =	vld.idx.msk [tilespmem:v29+s23+$0x0], $0xffff  }
0xc8: {  	v7 =	vpsel p0, v11, v7;
	v10 =	vadd.f32 @p0 v10, v22;
	v9 =	vadd.f32 @p0 v9, v19;
	v63 =	vld.idx.msk [tilespmem:v30+s23+$0x0], $0xffff  }
0xc9: {  	s28 =	sadd.s32 $0x1, s28;
	v6 =	vpsel p0, v12, v6;
	v4 =	vpsel p0, v14, v4;
	v5 =	vpsel p0, v15, v5;
	v11 =	vld.idx.msk [tilespmem:v31+s23+$0x0], $0xffff  }
0xca: {  	v3 =	vpsel p0, v13, v3;
	v2 =	vpsel p0, v10, v2;
	v1 =	vpsel p0, v9, v1;
	p0 =	sne.s32 s28, $0x27;
	v26 =	vld.idx.msk [tilespmem:v26+s23+$0x0], $0xffff  }
.Ltmp5:
0xcb: {  	_ = 	snop;
	(pc) =	sbr.rel @p0 .LBB2_4-.Ltmp5, $4  }
.Ltmp6:
0xcc: {  	v8 =	vadd.f32 v24, v8;
	v6 =	vadd.f32 v25, v6;
	(pc) =	sbr.rel @!p0 .LBB2_13-.Ltmp6, $4  }
0xcd: {  	v4 =	vadd.f32 v60, v4;
	v5 =	vadd.f32 v61, v5  }
0xce: {  	v3 =	vadd.f32 v62, v3;
	v2 =	vadd.f32 v63, v2  }
0xcf: {  	v1 =	vadd.f32 v11, v1;
	v7 =	vadd.f32 v26, v7  }
0xd0: {  	_ = 	snop  }
.LBB2_5:
.Ltmp7:
0xd1: {  	(pc) =	sbr.rel .LBB2_12-.Ltmp7, $3  }
0xd2: {  	_ =	sdelay $0x1  }
0xd3: {  	v19 =	vmov v1;
	v11 =	vmov v7  }
0xd4: {  	s31 =	simm.s32 $0xF540;
	v12 =	vmovc v6;
	v14 =	vmovc v4;
	v15 =	vmov v5;
	s4 =	simm.s32 $0x0;
	v21 =	vmov v3;
	v22 =	vmov v2  }
.LBB2_7:
.Ltmp8:
0xd5: {  	(pc) =	sbr.rel .LBB2_12-.Ltmp8, $3  }
0xd6: {  	_ =	sdelay $0x1  }
0xd7: {  	v19 =	vmov v1;
	v11 =	vmov v7  }
0xd8: {  	s31 =	simm.s32 $0xF540;
	v12 =	vmovc v6;
	v14 =	vmovc v4;
	v15 =	vmov v5;
	v21 =	vmov v3;
	v22 =	vmov v2  }
.LBB2_9:
.Ltmp9:
0xd9: {  	(pc) =	sbr.rel .LBB2_12-.Ltmp9, $2  }
0xda: {  	_ =	sdelay $0x2  }
0xdb: {  	v19 =	vmov v1;
	s4 =	simm.s32 $0x200  }
.LBB2_13:
0xdc: {  	s1 =	simm.s32 $0x0  }
0xdd: {  	[tilespmem:s17], [sflag:$0x2] =	stream.linear.gather [hbm4b:s10+s1], $0x80, $0x38;
	[tilespmem:$0x1B580] =	vst v63  }
0xde: {  	_ =	swait.ge [sflag:s15], $0x80  }
0xdf: {  	[sflag:s15] =	ssyncset.done $0x0  }
0xe0: {  	[sflag:s15] =	ssyncadd.s32 $0xFFFFFF80  }
0xe1: {  	[tilespmem:s18], [sflag:$0x2] =	stream.linear.gather [hbm4b:s11+s1], $0x80, $0x38;
	[tilespmem:$0x1B580] =	vst v63  }
0xe2: {  	_ =	swait.ge [sflag:s15], $0x80  }
0xe3: {  	[sflag:s15] =	ssyncset.done $0x0  }
0xe4: {  	[sflag:s15] =	ssyncadd.s32 $0xFFFFFF80  }
0xe5: {  	[tilespmem:s20], [sflag:$0x1] =	stream.indirect.gather [hbm4b:s0+s19], $0x80, s17, s19, $0xb8;
	[tilespmem:$0x1B580] =	vst v63  }
0xe6: {  	_ =	swait.ge [sflag:s21], $0x4000  }
0xe7: {  	[sflag:s21] =	ssyncset.done $0x0  }
0xe8: {  	[sflag:s21] =	ssyncadd.s32 $0xFFFFC000  }
0xe9: {  	[tilespmem:s22], [sflag:$0x1] =	stream.indirect.gather [hbm4b:s0+s19], $0x80, s18, s19, $0xb8;
	[tilespmem:$0x1B580] =	vst v63  }
0xea: {  	_ =	swait.ge [sflag:s21], $0x4000  }
0xeb: {  	[sflag:s21] =	ssyncset.done $0x0  }
0xec: {  	[sflag:s21] =	ssyncadd.s32 $0xFFFFC000  }
0xed: {  	[tilespmem:s23], [sflag:$0x2] =	stream.linear.gather [hbm4b:s12+s1], $0x8000, $0x38;
	[tilespmem:$0x1B580] =	vst v63  }
0xee: {  	_ =	swait.ge [sflag:s15], $0x8000  }
0xef: {  	[sflag:s15] =	ssyncset.done $0x0  }
0xf0: {  	s4 =	simm.s32 $0xB540;
	[sflag:s15] =	ssyncadd.s32 $0xFFFF8000  }
0xf1: {  	v9 =	vld [tilespmem:s4+$0x30]  }
0xf2: {  	s26 =	simm.s32 $0xF540;
	v10 =	vld [tilespmem:s4+$0xFFFFFFD0]  }
0xf3: {  	v11 =	vld [tilespmem:s26+$0x30]  }
0xf4: {  	v12 =	vld [tilespmem:s4+$0xFFFFFFE0]  }
0xf5: {  	v13 =	vld [tilespmem:s4+$0xFFFFFFF0]  }
0xf6: {  	v14 =	vld [tilespmem:s4+$0xFFFFFFC0]  }
0xf7: {  	v15 =	vld [tilespmem:s4+$0x0]  }
0xf8: {  	v16 =	vld [tilespmem:s26+$0xFFFFFFC0]  }
0xf9: {  	v17 =	vld [tilespmem:s26+$0xFFFFFFE0]  }
0xfa: {  	v18 =	vld [tilespmem:s26+$0xFFFFFFF0]  }
0xfb: {  	v19 =	vld [tilespmem:s4+$0x10]  }
0xfc: {  	s31 =	simm.s32 $0xB5C0;
	v20 =	vld [tilespmem:s4+$0x20]  }
0xfd: {  	v21 =	vld [tilespmem:s31+$0xFFFFFFD0]  }
0xfe: {  	v23 =	vld [tilespmem:s31+$0xFFFFFFE0]  }
0xff: {  	v24 =	vld [tilespmem:s31+$0xFFFFFFF0]  }
0x100: {  	v25 =	vld [tilespmem:s31+$0x0];
	v9 =	vshll.u32 v9, $0x4  }
0x101: {  	v26 =	vld [tilespmem:s31+$0x10];
	v9 =	vadd.s32 s1, v9  }
0x102: {  	v27 =	vld [tilespmem:s31+$0x20];
	v14 =	vshll.u32 v14, $0x4;
	v9 =	vadd.s32 v11, v9  }
0x103: {  	v14 =	vadd.s32 s1, v14;
	v11 =	vld [tilespmem:s26+$0xFFFFFFD0]  }
0x104: {  	v57 =	vld [tilespmem:s31+$0xFFFFFFC0];
	v12 =	vshll.u32 v12, $0x4;
	v14 =	vadd.s32 v16, v14  }
0x105: {  	v12 =	vadd.s32 s1, v12;
	v16 =	vld [tilespmem:s26+$0x10]  }
0x106: {  	v10 =	vshll.u32 v10, $0x4;
	v12 =	vadd.s32 v17, v12;
	v17 =	vld [tilespmem:s26+$0x20]  }
0x107: {  	v13 =	vshll.u32 v13, $0x4;
	v10 =	vadd.s32 s1, v10;
	v9 =	vld.idx.msk [tilespmem:v9+s23+$0x0], $0xffff  }
0x108: {  	v10 =	vadd.s32 v11, v10;
	v11 =	vadd.s32 s1, v13;
	v13 =	vld [tilespmem:s26+$0x0]  }
0x109: {  	v14 =	vld.idx.msk [tilespmem:v14+s23+$0x0], $0xffff  }
0x10a: {  	v11 =	vadd.s32 v18, v11;
	v18 =	vld [tilespmem:s31+$0x30]  }
0x10b: {  	v12 =	vld.idx.msk [tilespmem:v12+s23+$0x0], $0xffff;
	s26 =	simm.s32 $0xF5C0  }
0x10c: {  	v22 =	vld [tilespmem:s26+$0x30]  }
0x10d: {  	v28 =	vld [tilespmem:s26+$0xFFFFFFC0]  }
0x10e: {  	v29 =	vld [tilespmem:s26+$0xFFFFFFD0]  }
0x10f: {  	s28 =	simm.s32 $0x100;
	v15 =	vshll.u32 v15, $0x4;
	v19 =	vshll.u32 v19, $0x4;
	v30 =	vld [tilespmem:s26+$0xFFFFFFE0];
	v18 =	vshll.u32 v18, $0x4  }
0x110: {  	v20 =	vshll.u32 v20, $0x4;
	v15 =	vadd.s32 s1, v15;
	v58 =	vld [tilespmem:s26+$0x0];
	v18 =	vadd.s32 s28, v18  }
0x111: {  	v19 =	vadd.s32 s1, v19;
	v10 =	vld.idx.msk [tilespmem:v10+s23+$0x0], $0xffff;
	v9 =	vmul.f32 v9, v0;
	v18 =	vadd.s32 v22, v18  }
0x112: {  	v13 =	vadd.s32 v13, v15;
	v15 =	vadd.s32 v16, v19;
	v16 =	vadd.s32 s1, v20;
	v11 =	vld.idx.msk [tilespmem:v11+s23+$0x0], $0xffff  }
0x113: {  	v19 =	vadd.f32 v9, v8;
	v9 =	vadd.s32 v17, v16;
	v8 =	vshll.u32 v57, $0x4;
	v16 =	vld [tilespmem:s26+$0xFFFFFFF0]  }
0x114: {  	v60 =	vld [tilespmem:s26+$0x10];
	v20 =	vshll.u32 v23, $0x4;
	v17 =	vshll.u32 v21, $0x4;
	v8 =	vadd.s32 s28, v8  }
0x115: {  	v61 =	vld [tilespmem:s26+$0x20];
	v14 =	vmul.f32 v14, v0;
	v17 =	vadd.s32 s28, v17;
	v59 =	vadd.s32 v28, v8  }
0x116: {  	v20 =	vadd.s32 s28, v20;
	v17 =	vadd.s32 v29, v17;
	v8 =	vshll.u32 v24, $0x4;
	v18 =	vld.idx.msk [tilespmem:v18+s23+$0x0], $0xffff  }
0x117: {  	v20 =	vadd.s32 v30, v20;
	v10 =	vmul.f32 v10, v0;
	v8 =	vadd.s32 s28, v8;
	v62 =	vld.idx.msk [tilespmem:v13+s23+$0x0], $0xffff  }
0x118: {  	v63 =	vld.idx.msk [tilespmem:v15+s23+$0x0], $0xffff;
	v11 =	vmul.f32 v11, v0;
	v13 =	vadd.s32 v16, v8  }
0x119: {  	v16 =	vmul.f32 v12, v0;
	v8 =	vadd.f32 v14, v7;
	v6 =	vadd.f32 v10, v6;
	v12 =	vld.idx.msk [tilespmem:v9+s23+$0x0], $0xffff  }
0x11a: {  	v9 =	vshll.u32 v26, $0x4;
	v10 =	vshll.u32 v27, $0x4;
	v5 =	vadd.f32 v11, v5;
	v14 =	vld.idx.msk [tilespmem:v59+s23+$0x0], $0xffff  }
0x11b: {  	v7 =	vadd.f32 v16, v4;
	v4 =	vshll.u32 v25, $0x4;
	v15 =	vld.idx.msk [tilespmem:v17+s23+$0x0], $0xffff;
	v18 =	vmul.f32 v18, v0  }
0x11c: {  	s4 =	simm.s32 $0xB640;
	v9 =	vadd.s32 s28, v9;
	v10 =	vadd.s32 s28, v10;
	v16 =	vld.idx.msk [tilespmem:v20+s23+$0x0], $0xffff;
	v4 =	vadd.s32 s28, v4  }
0x11d: {  	v17 =	vld [tilespmem:s4+$0x30];
	v11 =	vadd.s32 v58, v4;
	v4 =	vadd.f32 v18, v19;
	v19 =	vmul.f32 v62, v0  }
0x11e: {  	s1 =	simm.s32 $0x200;
	v9 =	vadd.s32 v60, v9;
	v10 =	vadd.s32 v61, v10;
	s28 =	simm.s32 $0x300;
	v13 =	vld.idx.msk [tilespmem:v13+s23+$0x0], $0xffff;
	v18 =	vmul.f32 v63, v0  }
.LBB2_14:
0x11f: {  	p0 =	sne.s32 s28, $0x7F00;
	v20 =	vld [tilespmem:s4+$0xFFFFFFD0];
	s26 =	sadd.s32 $0x80, s26;
	v3 =	vadd.f32 v19, v3;
	v12 =	vmul.f32 v12, v0  }
0x120: {  	v14 =	vmul.f32 v14, v0;
	v19 =	vld [tilespmem:s26+$0x30];
	v2 =	vadd.f32 v18, v2  }
0x121: {  	v15 =	vmul.f32 v15, v0;
	v18 =	vld [tilespmem:s4+$0xFFFFFFE0];
	v1 =	vadd.f32 v12, v1  }
0x122: {  	v8 =	vadd.f32 v14, v8;
	v14 =	vmul.f32 v16, v0;
	v12 =	vld [tilespmem:s4+$0xFFFFFFF0]  }
0x123: {  	v6 =	vadd.f32 v15, v6;
	v13 =	vmul.f32 v13, v0;
	v16 =	vld [tilespmem:s4+$0x0];
	v17 =	vshll.u32 v17, $0x4  }
0x124: {  	v7 =	vadd.f32 v14, v7;
	v15 =	vshll.u32 v20, $0x4;
	v20 =	vld [tilespmem:s4+$0x10];
	v17 =	vadd.s32 s1, v17  }
0x125: {  	v5 =	vadd.f32 v13, v5;
	v14 =	vadd.s32 s1, v15;
	v15 =	vld [tilespmem:s4+$0x20];
	v17 =	vadd.s32 v19, v17  }
0x126: {  	v13 =	vld [tilespmem:s4+$0xFFFFFFC0];
	v18 =	vshll.u32 v18, $0x4  }
0x127: {  	v19 =	vld [tilespmem:s26+$0xFFFFFFC0];
	v18 =	vadd.s32 s1, v18;
	v12 =	vshll.u32 v12, $0x4  }
0x128: {  	v21 =	vld [tilespmem:s26+$0xFFFFFFD0];
	v12 =	vadd.s32 s1, v12;
	v16 =	vshll.u32 v16, $0x4  }
0x129: {  	v22 =	vld [tilespmem:s26+$0xFFFFFFE0];
	v16 =	vadd.s32 s1, v16;
	v20 =	vshll.u32 v20, $0x4  }
0x12a: {  	v20 =	vadd.s32 s1, v20;
	v15 =	vshll.u32 v15, $0x4;
	v17 =	vld.idx.msk [tilespmem:v17+s23+$0x0], $0xffff  }
0x12b: {  	v13 =	vshll.u32 v13, $0x4;
	v23 =	vld [tilespmem:s26+$0xFFFFFFF0];
	v24 =	vadd.s32 s1, v15  }
0x12c: {  	v13 =	vadd.s32 s1, v13;
	v15 =	vld [tilespmem:s26+$0x0];
	s1 =	smov.u32 s28  }
0x12d: {  	v13 =	vadd.s32 v19, v13;
	v19 =	vadd.s32 v21, v14;
	v21 =	vld [tilespmem:s26+$0x10]  }
0x12e: {  	v18 =	vadd.s32 v22, v18;
	v22 =	vld [tilespmem:s26+$0x20]  }
0x12f: {  	v25 =	vld.idx.msk [tilespmem:v11+s23+$0x0], $0xffff  }
0x130: {  	v17 =	vmul.f32 v17, v0;
	v23 =	vadd.s32 v23, v12;
	v26 =	vld.idx.msk [tilespmem:v9+s23+$0x0], $0xffff  }
0x131: {  	v11 =	vadd.s32 v15, v16;
	v12 =	vld.idx.msk [tilespmem:v10+s23+$0x0], $0xffff  }
.Ltmp10:
0x132: {  	v4 =	vadd.f32 v17, v4;
	v14 =	vld.idx.msk [tilespmem:v13+s23+$0x0], $0xffff;
	v9 =	vadd.s32 v21, v20;
	(pc) =	sbr.rel @p0 .LBB2_14-.Ltmp10, $4  }
0x133: {  	v15 =	vld.idx.msk [tilespmem:v19+s23+$0x0], $0xffff;
	v10 =	vadd.s32 v22, v24  }
0x134: {  	v16 =	vld.idx.msk [tilespmem:v18+s23+$0x0], $0xffff  }
0x135: {  	s4 =	sadd.s32 $0x80, s4;
	v19 =	vmul.f32 v25, v0;
	v13 =	vld.idx.msk [tilespmem:v23+s23+$0x0], $0xffff  }
0x136: {  	s28 =	sadd.s32 $0x100, s28;
	v18 =	vmul.f32 v26, v0;
	v17 =	vld [tilespmem:s4+$0x30]  }
0x137: {  	v20 =	vld [tilespmem:s4+$0xFFFFFFD0]  }
0x138: {  	v22 =	vld [tilespmem:s4+$0xFFFFFFE0]  }
0x139: {  	v23 =	vld [tilespmem:s4+$0xFFFFFFF0]  }
0x13a: {  	v24 =	vld [tilespmem:s4+$0x0]  }
0x13b: {  	v25 =	vld [tilespmem:s4+$0x10]  }
0x13c: {  	v26 =	vld [tilespmem:s4+$0xFFFFFFC0]  }
0x13d: {  	v27 =	vld [tilespmem:s4+$0x20]  }
0x13e: {  	s26 =	sadd.s32 $0x80, s26;
	v11 =	vld.idx.msk [tilespmem:v11+s23+$0x0], $0xffff  }
0x13f: {  	v28 =	vld [tilespmem:s26+$0xFFFFFFC0]  }
0x140: {  	v29 =	vld [tilespmem:s26+$0xFFFFFFD0]  }
0x141: {  	v30 =	vld [tilespmem:s26+$0xFFFFFFE0]  }
0x142: {  	v31 =	vld [tilespmem:s26+$0xFFFFFFF0];
	v26 =	vshll.u32 v26, $0x4  }
0x143: {  	v32 =	vld [tilespmem:s26+$0x0];
	v20 =	vshll.u32 v20, $0x4;
	v26 =	vadd.s32 s1, v26  }
0x144: {  	v47 =	vld [tilespmem:s26+$0x10];
	v22 =	vshll.u32 v22, $0x4;
	v20 =	vadd.s32 s1, v20;
	v26 =	vadd.s32 v28, v26  }
0x145: {  	v48 =	vld [tilespmem:s26+$0x20];
	v23 =	vshll.u32 v23, $0x4;
	v22 =	vadd.s32 s1, v22;
	v20 =	vadd.s32 v29, v20  }
0x146: {  	v21 =	vld [tilespmem:s26+$0x30];
	v24 =	vshll.u32 v24, $0x4;
	v23 =	vadd.s32 s1, v23;
	v22 =	vadd.s32 v30, v22  }
0x147: {  	v9 =	vld.idx.msk [tilespmem:v9+s23+$0x0], $0xffff;
	v25 =	vshll.u32 v25, $0x4;
	v24 =	vadd.s32 s1, v24;
	v23 =	vadd.s32 v31, v23  }
0x148: {  	v10 =	vld.idx.msk [tilespmem:v10+s23+$0x0], $0xffff;
	v27 =	vshll.u32 v27, $0x4;
	v25 =	vadd.s32 s1, v25;
	v24 =	vadd.s32 v32, v24  }
0x149: {  	v17 =	vshll.u32 v17, $0x4;
	v27 =	vadd.s32 s1, v27;
	v25 =	vadd.s32 v47, v25;
	v26 =	vld.idx.msk [tilespmem:v26+s23+$0x0], $0xffff  }
0x14a: {  	v3 =	vadd.f32 v19, v3;
	v17 =	vadd.s32 s1, v17;
	v49 =	vadd.s32 v48, v27;
	v20 =	vld.idx.msk [tilespmem:v20+s23+$0x0], $0xffff  }
0x14b: {  	v12 =	vmul.f32 v12, v0;
	v14 =	vmul.f32 v14, v0;
	v17 =	vadd.s32 v21, v17;
	v50 =	vld.idx.msk [tilespmem:v22+s23+$0x0], $0xffff  }
0x14c: {  	v2 =	vadd.f32 v18, v2;
	v15 =	vmul.f32 v15, v0;
	v16 =	vmul.f32 v16, v0;
	v51 =	vld.idx.msk [tilespmem:v23+s23+$0x0], $0xffff  }
0x14d: {  	v1 =	vadd.f32 v12, v1;
	v8 =	vadd.f32 v14, v8;
	v52 =	vmul.f32 v13, v0;
	v53 =	vld.idx.msk [tilespmem:v24+s23+$0x0], $0xffff  }
0x14e: {  	v6 =	vadd.f32 v15, v6;
	v7 =	vadd.f32 v16, v7;
	v55 =	vld.idx.msk [tilespmem:v25+s23+$0x0], $0xffff;
	v54 =	vmul.f32 v26, v0  }
0x14f: {  	v5 =	vadd.f32 v52, v5;
	v11 =	vmul.f32 v11, v0;
	v57 =	vld.idx.msk [tilespmem:v49+s23+$0x0], $0xffff;
	v56 =	vmul.f32 v20, v0  }
0x150: {  	v9 =	vmul.f32 v9, v0;
	v17 =	vld.idx.msk [tilespmem:v17+s23+$0x0], $0xffff;
	v58 =	vmul.f32 v50, v0;
	v8 =	vadd.f32 v54, v8  }
0x151: {  	v10 =	vmul.f32 v10, v0;
	v59 =	vmul.f32 v51, v0;
	v6 =	vadd.f32 v56, v6  }
0x152: {  	v3 =	vadd.f32 v11, v3;
	v60 =	vmul.f32 v53, v0;
	v7 =	vadd.f32 v58, v7;
	[tilespmem:$0x1B500] =	vst v8  }
0x153: {  	v2 =	vadd.f32 v9, v2;
	v61 =	vmul.f32 v55, v0;
	v5 =	vadd.f32 v59, v5;
	[tilespmem:$0x1B510] =	vst v6  }
0x154: {  	v1 =	vadd.f32 v10, v1;
	v62 =	vmul.f32 v57, v0;
	v3 =	vadd.f32 v60, v3;
	[tilespmem:$0x1B520] =	vst v7  }
0x155: {  	v63 =	vmul.f32 v17, v0;
	v2 =	vadd.f32 v61, v2;
	[tilespmem:$0x1B530] =	vst v5  }
0x156: {  	v1 =	vadd.f32 v62, v1;
	[tilespmem:$0x1B540] =	vst v3  }
0x157: {  	s25 =	sadd.s32 $0x1, s25;
	v3 =	vadd.f32 v63, v4;
	[tilespmem:$0x1B550] =	vst v2  }
0x158: {  	p0 =	sne.s32 s25, s14;
	[tilespmem:$0x1B560] =	vst v1  }
.Ltmp11:
0x159: {  	[tilespmem:$0x1B570] =	vst v3;
	(pc) =	sbr.rel @p0 .LBB2_1-.Ltmp11, $4  }
0x15a: {  	[hbm4b:s13+s6] =	stream.linear.scatter [tilespmem:s24], [sflag:$0x2], $0x80, $0x38;
	[tilespmem:$0x1B580] =	vst v63  }
0x15b: {  	_ =	swait.ge [sflag:s15], $0x80  }
0x15c: {  	[sflag:s15] =	ssyncset.done $0x0  }
0x15d: {  	[sflag:s15] =	ssyncadd.s32 $0xFFFFFF80  }
0x15e: {  	_ =	sfence.sel $0x180000  }
0x15f: {  	[bflag:$0x0] =	sbarrier.arrive $0xFFFF  }
0x160: {  	_ =	strace $0x90000047  }
0x161: {  	s0 =	stileid.u32;
	[bflag:$0x2] =	sbarrier.arrive $0xFFFF  }
0x162: {  	p0 =	sne.s32 s0, $0x0;
	s0 =	rddreg [dreg:$0x6]  }
0x163: {  	s0 =	sadd.s32 @!p0 $0x100000, s0  }
0x164: {  	[sflag:s0] =	ssyncadd.tile.s32 @!p0 $0x1;
	_ =	shalt  }
.Lfunc_end2:
_tile_overlayer_lowered:
.L_overlay_start_2:
0x165: {  	(tag) =	ssettag $0x2  }
0x166: {  	s0 =	rddreg [dreg:$0x0];
	s2 =	stileid.u32  }
0x167: {  	s1 =	rddreg [dreg:$0x1];
	p0 =	sne.s32 s2, $0x0  }
0x168: {  	s3 =	rddreg [dreg:$0x2];
	[bflag:$0x3] =	sbarrier.arrive $0xFFFF;
	s2 =	simm.s32 @!p0 $0x1C02  }
0x169: {  	[timem:s3], [sflag:s2] =	dma.local @!p0 [hbm:s0], s1  }
0x16a: {  	s0 =	simm.s32 @!p0 $0x2  }
0x16b: {  	_ =	swait.ge @!p0 [sflag:s0], s1  }
0x16c: {  	s1 =	ssub.s32 @!p0 $0x0, s1;
	[sflag:s0] =	ssyncset.done @!p0 $0x0  }
0x16d: {  	[sflag:s0] =	ssyncadd.s32 @!p0 s1  }
0x16e: {  	[bflag:$0x3] =	sbarrier.arrive $0xFFFF  }
0x16f: {  	_ =	shalt  }

</sc_bundles>
